<compile_context>
chip_gen: v7x
topology: tpu7x:2x2x1
jax: 0.10.2.dev20260603
libtpu: 0.0.44.dev20260713+nightly
codegen_flags: <defaults>
</compile_context>

<pallas_src>
import functools

import jax
import jax.numpy as jnp
from jax import lax
from jax.experimental import pallas as pl
from jax.experimental.pallas import tpu as pltpu
from jax.experimental.pallas import tpu_sc as plsc

_NUM_CORES = 2
_NUM_SUBCORES = 16
_NUM_WORKERS = _NUM_CORES * _NUM_SUBCORES
_LANES = 16
_CSLAB = 4
_TILE = 128


def _gather_body(B, N, C, S, M, pts_hbm, idx_hbm, out_hbm,
                 idx_v, slab, outv, wsem0, wsem1, ssem):
    wid = lax.axis_index("s") * _NUM_CORES + lax.axis_index("c")
    wpb = _NUM_WORKERS // B
    cpw = C // wpb
    trpw = cpw // 8
    b = wid // wpb
    tr0 = (wid % wpb) * trpw
    n_slabs = cpw // _CSLAB
    n_mt = M // _TILE
    sub = _TILE // _LANES

    wsems = (wsem0, wsem1)

    _idx_cp = pltpu.make_async_copy(idx_hbm.at[b], idx_v, ssem)
    _idx_cp.start()

    def _wait_write(slot):
        pltpu.make_async_copy(
            outv.at[slot],
            out_hbm.at[b].at[0].at[tr0].at[:, pl.ds(0, _CSLAB)],
            wsems[slot]).wait()

    def slab_body(sl_i, carry):
        tr = tr0 + sl_i // 2
        ch = (sl_i % 2) * _CSLAB
        bt = b * (C // 8) + tr

        def _slab_cp(c):
            return pltpu.make_async_copy(
                pts_hbm.at[bt].at[:, ch + c],
                slab.at[pl.ds(c * (N // _TILE), N // _TILE)], ssem)

        for c in range(_CSLAB):
            _slab_cp(c).start()

        @pl.when(sl_i == 0)
        def _():
            _idx_cp.wait()

        for c in range(_CSLAB):
            _slab_cp(c).wait()

        def s2_body(s2, carry2):
            for ss in range(2):
                s = 2 * s2 + ss

                @pl.when((sl_i > 0) | (s2 >= 1))
                def _():
                    _wait_write(ss)

                @plsc.parallel_loop(0, n_mt * sub, unroll=4)
                def _grp(g):
                    vidx = idx_v[s, pl.ds(g * _LANES, _LANES)]
                    nt = vidx >> 7
                    nl = vidx & (_TILE - 1)
                    mt = g // sub
                    sj = g % sub
                    for c in range(_CSLAB):
                        outv[ss, mt, c, pl.ds(sj * _LANES, _LANES)] = (
                            plsc.load_gather(
                                slab, [c * (N // _TILE) + nt, nl]))
                pltpu.make_async_copy(
                    outv.at[ss],
                    out_hbm.at[b].at[s].at[tr].at[:, pl.ds(ch, _CSLAB)],
                    wsems[ss]).start()
            return carry2

        lax.fori_loop(0, S // 2, s2_body, 0)
        return carry

    lax.fori_loop(0, n_slabs, slab_body, 0)

    _wait_write(0)
    _wait_write(1)


def kernel(points, idx):
    B, N, C = points.shape
    _, M, S = idx.shape
    assert _NUM_WORKERS % B == 0
    wpb = _NUM_WORKERS // B
    assert C % (wpb * _CSLAB) == 0 and (C // wpb) % 8 == 0
    assert N % _TILE == 0 and M % _TILE == 0 and S % 2 == 0

    pts4 = (points.reshape(B, N // _TILE, _TILE, C // 8, 8)
            .transpose(0, 3, 1, 4, 2)
            .reshape(B * (C // 8), N // _TILE, 8, _TILE))
    idx_t = jnp.transpose(idx.astype(jnp.int32), (0, 2, 1))

    mesh = plsc.VectorSubcoreMesh(core_axis_name="c", subcore_axis_name="s")
    run = pl.kernel(
        functools.partial(_gather_body, B, N, C, S, M),
        out_type=jax.ShapeDtypeStruct(
            (B, S, C // 8, M // _TILE, 8, _TILE), jnp.float32),
        mesh=mesh,
        scratch_types=[
            pltpu.VMEM((S, M), jnp.int32),
            pltpu.VMEM((_CSLAB * (N // _TILE), _TILE), jnp.float32),
            pltpu.VMEM((2, M // _TILE, _CSLAB, _TILE), jnp.float32),
            pltpu.SemaphoreType.DMA,
            pltpu.SemaphoreType.DMA,
            pltpu.SemaphoreType.DMA,
        ],
        compiler_params=pltpu.CompilerParams(use_tc_tiling_on_sc=False,
                                             needs_layout_passes=False),
    )
    out6 = run(pts4, idx_t)
    return (out6.transpose(0, 3, 5, 1, 2, 4)
            .reshape(B, M, S, C))

# --- scband reference (transcript-rebuilt; emitter-appended) ---
"""Pipeline reference for scband-group-points-module-19645180412394 (READ-ONLY COPY).

The authoritative reference and input builder live on the scoring server;
editing this copy changes nothing except your own understanding.
"""

import jax, jax.numpy as jnp
import numpy as np

def setup_inputs(seed: int = 0) -> dict:
    key = jax.random.key(seed)
    k1, k2 = jax.random.split(key)
    points = jax.random.normal(k1, (8, 16384, 64), dtype=jnp.float32)
    idx = jax.random.randint(k2, (8, 1024, 32), 0, 16384, dtype=jnp.int64)
    return {"points": points, "idx": idx}

def reference(points, idx):
    # GroupPoints forward: out[b, m, s, c] = points[b, idx[b, m, s], c]
    # points: [B, N, C], idx: [B, M, S] -> out: [B, M, S, C]
    out = jax.vmap(lambda p, i: jnp.take(p, i, axis=0))(points, idx)
    return out

if __name__ == "__main__":
    import jax
    _d = setup_inputs()
    print(jax.jit(kernel)(*tuple(_d.values())))

</pallas_src>

<mosaic_0001>
#map = affine_map<(d0, d1) -> (0, 0, 0, 0)>
#map1 = affine_map<(d0, d1) -> (0, 0, 0)>
#map2 = affine_map<(d0, d1) -> (0, 0, 0, 0, 0, 0)>
module attributes {stable_mosaic.version = 14 : i64} {
  func.func @_gather_body(%arg0: i32, %arg1: i32, %arg2: memref<64x128x8x128xf32, #tpu.memory_space<hbm>>, %arg3: memref<8x32x1024xi32, #tpu.memory_space<hbm>>, %arg4: memref<8x32x8x8x8x128xf32, #tpu.memory_space<hbm>>, %arg5: memref<32x1024xi32, #tpu.memory_space<vmem>>, %arg6: memref<512x128xf32, #tpu.memory_space<vmem>>, %arg7: memref<2x8x4x128xf32, #tpu.memory_space<vmem>>, %arg8: memref<!tpu.dma_semaphore, #tpu.memory_space<semaphore_mem>>, %arg9: memref<!tpu.dma_semaphore, #tpu.memory_space<semaphore_mem>>, %arg10: memref<!tpu.dma_semaphore, #tpu.memory_space<semaphore_mem>>) attributes {dimension_semantics = [#tpu.dimension_semantics<core_parallel>, #tpu.dimension_semantics<subcore_parallel>], iteration_bounds = array<i64: 2, 16>, scalar_prefetch = 0 : i64, scratch_operands = 6 : i64, tpu.core_type = #tpu.core_type<sc_vector_subcore>, window_params = [{transform_indices = #map}, {transform_indices = #map1}, {transform_indices = #map2}]} {
    %mul3A = arith.constant 2 : i32
    %mul3A_0 = arith.muli %arg1, %mul3A : i32
    %add3A = arith.addi %mul3A_0, %arg0 : i32
    %jit3A = arith.constant 4 : i32
    %div3A = arith.divsi %add3A, %jit3A : i32
    %sign3A = arith.constant 0 : i32
    %sign3A_1 = arith.cmpi sgt, %add3A, %sign3A : i32
    %sign3A_2 = arith.extui %sign3A_1 : i1 to i32
    %sign3A_3 = arith.constant 0 : i32
    %sign3A_4 = arith.cmpi slt, %add3A, %sign3A_3 : i32
    %sign3A_5 = arith.extui %sign3A_4 : i1 to i32
    %sign3A_6 = arith.subi %sign3A_2, %sign3A_5 : i32
    %sign3A_7 = arith.constant 0 : i32
    %sign3A_8 = arith.cmpi sgt, %jit3A, %sign3A_7 : i32
    %sign3A_9 = arith.extui %sign3A_8 : i1 to i32
    %sign3A_10 = arith.constant 0 : i32
    %sign3A_11 = arith.cmpi slt, %jit3A, %sign3A_10 : i32
    %sign3A_12 = arith.extui %sign3A_11 : i1 to i32
    %sign3A_13 = arith.subi %sign3A_9, %sign3A_12 : i32
    %ne3A = arith.cmpi ne, %sign3A_6, %sign3A_13 : i32
    %rem3A = arith.remsi %add3A, %jit3A : i32
    %ne3A_14 = arith.constant 0 : i32
    %ne3A_15 = arith.cmpi ne, %rem3A, %ne3A_14 : i32
    %and3A = arith.andi %ne3A, %ne3A_15 : i1
    %sub3A = arith.constant 1 : i32
    %sub3A_16 = arith.subi %div3A, %sub3A : i32
    %select_n3A = arith.select %and3A, %sub3A_16, %div3A : i32
    %jit3A_17 = arith.constant 4 : i32
    %eq3A = arith.constant 0 : i32
    %eq3A_18 = arith.cmpi eq, %jit3A_17, %eq3A : i32
    %jit3A_19 = arith.constant 1 : i32
    %select_n3A_20 = arith.select %eq3A_18, %jit3A_19, %jit3A_17 : i32
    %rem3A_21 = arith.remsi %add3A, %select_n3A_20 : i32
    %ne3A_22 = arith.constant 0 : i32
    %ne3A_23 = arith.cmpi ne, %rem3A_21, %ne3A_22 : i32
    %lt3A = arith.constant 0 : i32
    %lt3A_24 = arith.cmpi slt, %rem3A_21, %lt3A : i32
    %lt3A_25 = arith.constant 0 : i32
    %lt3A_26 = arith.cmpi slt, %select_n3A_20, %lt3A_25 : i32
    %ne3A_27 = arith.xori %lt3A_24, %lt3A_26 : i1
    %and3A_28 = arith.andi %ne3A_27, %ne3A_23 : i1
    %add3A_29 = arith.addi %rem3A_21, %select_n3A_20 : i32
    %select_n3A_30 = arith.select %and3A_28, %add3A_29, %rem3A_21 : i32
    %mul3A_31 = arith.constant 2 : i32
    %mul3A_32 = arith.muli %select_n3A_30, %mul3A_31 : i32
    %dma_start3A = arith.constant 0 : i32
    %dma_start3A_33 = arith.constant 0 : i32
    %dma_start3A_34 = tpu.memref_slice %arg3[%select_n3A, %dma_start3A, %dma_start3A_33] : memref<8x32x1024xi32, #tpu.memory_space<hbm>> -> memref<1x32x1024xi32, #tpu.memory_space<hbm>>
    %dma_start3A_35 = tpu.memref_squeeze %dma_start3A_34 : memref<1x32x1024xi32, #tpu.memory_space<hbm>> -> memref<32x1024xi32, #tpu.memory_space<hbm>>
    %dma_start3A_36 = arith.constant 0 : i32
    %dma_start3A_37 = arith.constant 0 : i32
    %dma_start3A_38 = tpu.memref_slice %arg3[%select_n3A, %dma_start3A_36, %dma_start3A_37] : memref<8x32x1024xi32, #tpu.memory_space<hbm>> -> memref<1x32x1024xi32, #tpu.memory_space<hbm>>
    %dma_start3A_39 = tpu.memref_squeeze %dma_start3A_38 : memref<1x32x1024xi32, #tpu.memory_space<hbm>> -> memref<32x1024xi32, #tpu.memory_space<hbm>>
    tpu.enqueue_dma source(%dma_start3A_39 : memref<32x1024xi32, #tpu.memory_space<hbm>>) target(%arg5 : memref<32x1024xi32, #tpu.memory_space<vmem>>) target_semaphore(%arg10 : memref<!tpu.dma_semaphore, #tpu.memory_space<semaphore_mem>>)
    %scan3A = arith.constant 0 : i32
    %scan3A_40 = arith.constant 0 : i32
    %scan3A_41 = arith.constant 4 : i32
    %scan3A_42 = arith.addi %scan3A_40, %scan3A_41 : i32
    %scan3A_43 = arith.constant 1 : i32
    scf.for %scan3A_156 = %scan3A_40 to %scan3A_42 step %scan3A_43  : i32 {
      %jit3A_157 = arith.constant 2 : i32
      %div3A_158 = arith.divsi %scan3A_156, %jit3A_157 : i32
      %sign3A_159 = arith.constant 0 : i32
      %sign3A_160 = arith.cmpi sgt, %scan3A_156, %sign3A_159 : i32
      %sign3A_161 = arith.extui %sign3A_160 : i1 to i32
      %sign3A_162 = arith.constant 0 : i32
      %sign3A_163 = arith.cmpi slt, %scan3A_156, %sign3A_162 : i32
      %sign3A_164 = arith.extui %sign3A_163 : i1 to i32
      %sign3A_165 = arith.subi %sign3A_161, %sign3A_164 : i32
      %sign3A_166 = arith.constant 0 : i32
      %sign3A_167 = arith.cmpi sgt, %jit3A_157, %sign3A_166 : i32
      %sign3A_168 = arith.extui %sign3A_167 : i1 to i32
      %sign3A_169 = arith.constant 0 : i32
      %sign3A_170 = arith.cmpi slt, %jit3A_157, %sign3A_169 : i32
      %sign3A_171 = arith.extui %sign3A_170 : i1 to i32
      %sign3A_172 = arith.subi %sign3A_168, %sign3A_171 : i32
      %ne3A_173 = arith.cmpi ne, %sign3A_165, %sign3A_172 : i32
      %rem3A_174 = arith.remsi %scan3A_156, %jit3A_157 : i32
      %ne3A_175 = arith.constant 0 : i32
      %ne3A_176 = arith.cmpi ne, %rem3A_174, %ne3A_175 : i32
      %and3A_177 = arith.andi %ne3A_173, %ne3A_176 : i1
      %sub3A_178 = arith.constant 1 : i32
      %sub3A_179 = arith.subi %div3A_158, %sub3A_178 : i32
      %select_n3A_180 = arith.select %and3A_177, %sub3A_179, %div3A_158 : i32
      %add3A_181 = arith.addi %mul3A_32, %select_n3A_180 : i32
      %jit3A_182 = arith.constant 2 : i32
      %eq3A_183 = arith.constant 0 : i32
      %eq3A_184 = arith.cmpi eq, %jit3A_182, %eq3A_183 : i32
      %jit3A_185 = arith.constant 1 : i32
      %select_n3A_186 = arith.select %eq3A_184, %jit3A_185, %jit3A_182 : i32
      %rem3A_187 = arith.remsi %scan3A_156, %select_n3A_186 : i32
      %ne3A_188 = arith.constant 0 : i32
      %ne3A_189 = arith.cmpi ne, %rem3A_187, %ne3A_188 : i32
      %lt3A_190 = arith.constant 0 : i32
      %lt3A_191 = arith.cmpi slt, %rem3A_187, %lt3A_190 : i32
      %lt3A_192 = arith.constant 0 : i32
      %lt3A_193 = arith.cmpi slt, %select_n3A_186, %lt3A_192 : i32
      %ne3A_194 = arith.xori %lt3A_191, %lt3A_193 : i1
      %and3A_195 = arith.andi %ne3A_194, %ne3A_189 : i1
      %add3A_196 = arith.addi %rem3A_187, %select_n3A_186 : i32
      %select_n3A_197 = arith.select %and3A_195, %add3A_196, %rem3A_187 : i32
      %mul3A_198 = arith.constant 4 : i32
      %mul3A_199 = arith.muli %select_n3A_197, %mul3A_198 : i32
      %mul3A_200 = arith.constant 8 : i32
      %mul3A_201 = arith.muli %select_n3A, %mul3A_200 : i32
      %add3A_202 = arith.addi %mul3A_201, %add3A_181 : i32
      %add3A_203 = arith.constant 0 : i32
      %add3A_204 = arith.addi %mul3A_199, %add3A_203 : i32
      %dma_start3A_205 = arith.constant 0 : i32
      %dma_start3A_206 = arith.constant 0 : i32
      %dma_start3A_207 = tpu.memref_slice %arg6[%dma_start3A_205, %dma_start3A_206] : memref<512x128xf32, #tpu.memory_space<vmem>> -> memref<128x128xf32, #tpu.memory_space<vmem>>
      %dma_start3A_208 = arith.constant 0 : i32
      %dma_start3A_209 = arith.constant 0 : i32
      %dma_start3A_210 = arith.constant 0 : i32
      %dma_start3A_211 = tpu.memref_slice %arg2[%add3A_202, %dma_start3A_208, %dma_start3A_209, %dma_start3A_210] : memref<64x128x8x128xf32, #tpu.memory_space<hbm>> -> memref<1x128x8x128xf32, #tpu.memory_space<hbm>>
      %dma_start3A_212 = tpu.memref_squeeze %dma_start3A_211 : memref<1x128x8x128xf32, #tpu.memory_space<hbm>> -> memref<128x8x128xf32, #tpu.memory_space<hbm>>
      %dma_start3A_213 = arith.constant 0 : i32
      %dma_start3A_214 = arith.constant 0 : i32
      %dma_start3A_215 = tpu.memref_slice %dma_start3A_212[%dma_start3A_213, %add3A_204, %dma_start3A_214] : memref<128x8x128xf32, #tpu.memory_space<hbm>> -> memref<128x1x128xf32, #tpu.memory_space<hbm>>
      %dma_start3A_216 = tpu.memref_squeeze %dma_start3A_215 : memref<128x1x128xf32, #tpu.memory_space<hbm>> -> memref<128x128xf32, #tpu.memory_space<hbm>>
      %dma_start3A_217 = arith.constant 0 : i32
      %dma_start3A_218 = arith.constant 0 : i32
      %dma_start3A_219 = tpu.memref_slice %arg6[%dma_start3A_217, %dma_start3A_218] : memref<512x128xf32, #tpu.memory_space<vmem>> -> memref<128x128xf32, #tpu.memory_space<vmem>>
      %dma_start3A_220 = arith.constant 0 : i32
      %dma_start3A_221 = arith.constant 0 : i32
      %dma_start3A_222 = arith.constant 0 : i32
      %dma_start3A_223 = tpu.memref_slice %arg2[%add3A_202, %dma_start3A_220, %dma_start3A_221, %dma_start3A_222] : memref<64x128x8x128xf32, #tpu.memory_space<hbm>> -> memref<1x128x8x128xf32, #tpu.memory_space<hbm>>
      %dma_start3A_224 = tpu.memref_squeeze %dma_start3A_223 : memref<1x128x8x128xf32, #tpu.memory_space<hbm>> -> memref<128x8x128xf32, #tpu.memory_space<hbm>>
      %dma_start3A_225 = arith.constant 0 : i32
      %dma_start3A_226 = arith.constant 0 : i32
      %dma_start3A_227 = tpu.memref_slice %dma_start3A_224[%dma_start3A_225, %add3A_204, %dma_start3A_226] : memref<128x8x128xf32, #tpu.memory_space<hbm>> -> memref<128x1x128xf32, #tpu.memory_space<hbm>>
      %dma_start3A_228 = tpu.memref_squeeze %dma_start3A_227 : memref<128x1x128xf32, #tpu.memory_space<hbm>> -> memref<128x128xf32, #tpu.memory_space<hbm>>
      tpu.enqueue_dma source(%dma_start3A_228 : memref<128x128xf32, #tpu.memory_space<hbm>>) target(%dma_start3A_219 : memref<128x128xf32, #tpu.memory_space<vmem>>) target_semaphore(%arg10 : memref<!tpu.dma_semaphore, #tpu.memory_space<semaphore_mem>>)
      %add3A_229 = arith.constant 1 : i32
      %add3A_230 = arith.addi %mul3A_199, %add3A_229 : i32
      %dma_start3A_231 = arith.constant 128 : i32
      %dma_start3A_232 = arith.constant 0 : i32
      %dma_start3A_233 = tpu.memref_slice %arg6[%dma_start3A_231, %dma_start3A_232] : memref<512x128xf32, #tpu.memory_space<vmem>> -> memref<128x128xf32, #tpu.memory_space<vmem>>
      %dma_start3A_234 = arith.constant 0 : i32
      %dma_start3A_235 = arith.constant 0 : i32
      %dma_start3A_236 = arith.constant 0 : i32
      %dma_start3A_237 = tpu.memref_slice %arg2[%add3A_202, %dma_start3A_234, %dma_start3A_235, %dma_start3A_236] : memref<64x128x8x128xf32, #tpu.memory_space<hbm>> -> memref<1x128x8x128xf32, #tpu.memory_space<hbm>>
      %dma_start3A_238 = tpu.memref_squeeze %dma_start3A_237 : memref<1x128x8x128xf32, #tpu.memory_space<hbm>> -> memref<128x8x128xf32, #tpu.memory_space<hbm>>
      %dma_start3A_239 = arith.constant 0 : i32
      %dma_start3A_240 = arith.constant 0 : i32
      %dma_start3A_241 = tpu.memref_slice %dma_start3A_238[%dma_start3A_239, %add3A_230, %dma_start3A_240] : memref<128x8x128xf32, #tpu.memory_space<hbm>> -> memref<128x1x128xf32, #tpu.memory_space<hbm>>
      %dma_start3A_242 = tpu.memref_squeeze %dma_start3A_241 : memref<128x1x128xf32, #tpu.memory_space<hbm>> -> memref<128x128xf32, #tpu.memory_space<hbm>>
      %dma_start3A_243 = arith.constant 128 : i32
      %dma_start3A_244 = arith.constant 0 : i32
      %dma_start3A_245 = tpu.memref_slice %arg6[%dma_start3A_243, %dma_start3A_244] : memref<512x128xf32, #tpu.memory_space<vmem>> -> memref<128x128xf32, #tpu.memory_space<vmem>>
      %dma_start3A_246 = arith.constant 0 : i32
      %dma_start3A_247 = arith.constant 0 : i32
      %dma_start3A_248 = arith.constant 0 : i32
      %dma_start3A_249 = tpu.memref_slice %arg2[%add3A_202, %dma_start3A_246, %dma_start3A_247, %dma_start3A_248] : memref<64x128x8x128xf32, #tpu.memory_space<hbm>> -> memref<1x128x8x128xf32, #tpu.memory_space<hbm>>
      %dma_start3A_250 = tpu.memref_squeeze %dma_start3A_249 : memref<1x128x8x128xf32, #tpu.memory_space<hbm>> -> memref<128x8x128xf32, #tpu.memory_space<hbm>>
      %dma_start3A_251 = arith.constant 0 : i32
      %dma_start3A_252 = arith.constant 0 : i32
      %dma_start3A_253 = tpu.memref_slice %dma_start3A_250[%dma_start3A_251, %add3A_230, %dma_start3A_252] : memref<128x8x128xf32, #tpu.memory_space<hbm>> -> memref<128x1x128xf32, #tpu.memory_space<hbm>>
      %dma_start3A_254 = tpu.memref_squeeze %dma_start3A_253 : memref<128x1x128xf32, #tpu.memory_space<hbm>> -> memref<128x128xf32, #tpu.memory_space<hbm>>
      tpu.enqueue_dma source(%dma_start3A_254 : memref<128x128xf32, #tpu.memory_space<hbm>>) target(%dma_start3A_245 : memref<128x128xf32, #tpu.memory_space<vmem>>) target_semaphore(%arg10 : memref<!tpu.dma_semaphore, #tpu.memory_space<semaphore_mem>>)
      %add3A_255 = arith.constant 2 : i32
      %add3A_256 = arith.addi %mul3A_199, %add3A_255 : i32
      %dma_start3A_257 = arith.constant 256 : i32
      %dma_start3A_258 = arith.constant 0 : i32
      %dma_start3A_259 = tpu.memref_slice %arg6[%dma_start3A_257, %dma_start3A_258] : memref<512x128xf32, #tpu.memory_space<vmem>> -> memref<128x128xf32, #tpu.memory_space<vmem>>
      %dma_start3A_260 = arith.constant 0 : i32
      %dma_start3A_261 = arith.constant 0 : i32
      %dma_start3A_262 = arith.constant 0 : i32
      %dma_start3A_263 = tpu.memref_slice %arg2[%add3A_202, %dma_start3A_260, %dma_start3A_261, %dma_start3A_262] : memref<64x128x8x128xf32, #tpu.memory_space<hbm>> -> memref<1x128x8x128xf32, #tpu.memory_space<hbm>>
      %dma_start3A_264 = tpu.memref_squeeze %dma_start3A_263 : memref<1x128x8x128xf32, #tpu.memory_space<hbm>> -> memref<128x8x128xf32, #tpu.memory_space<hbm>>
      %dma_start3A_265 = arith.constant 0 : i32
      %dma_start3A_266 = arith.constant 0 : i32
      %dma_start3A_267 = tpu.memref_slice %dma_start3A_264[%dma_start3A_265, %add3A_256, %dma_start3A_266] : memref<128x8x128xf32, #tpu.memory_space<hbm>> -> memref<128x1x128xf32, #tpu.memory_space<hbm>>
      %dma_start3A_268 = tpu.memref_squeeze %dma_start3A_267 : memref<128x1x128xf32, #tpu.memory_space<hbm>> -> memref<128x128xf32, #tpu.memory_space<hbm>>
      %dma_start3A_269 = arith.constant 256 : i32
      %dma_start3A_270 = arith.constant 0 : i32
      %dma_start3A_271 = tpu.memref_slice %arg6[%dma_start3A_269, %dma_start3A_270] : memref<512x128xf32, #tpu.memory_space<vmem>> -> memref<128x128xf32, #tpu.memory_space<vmem>>
      %dma_start3A_272 = arith.constant 0 : i32
      %dma_start3A_273 = arith.constant 0 : i32
      %dma_start3A_274 = arith.constant 0 : i32
      %dma_start3A_275 = tpu.memref_slice %arg2[%add3A_202, %dma_start3A_272, %dma_start3A_273, %dma_start3A_274] : memref<64x128x8x128xf32, #tpu.memory_space<hbm>> -> memref<1x128x8x128xf32, #tpu.memory_space<hbm>>
      %dma_start3A_276 = tpu.memref_squeeze %dma_start3A_275 : memref<1x128x8x128xf32, #tpu.memory_space<hbm>> -> memref<128x8x128xf32, #tpu.memory_space<hbm>>
      %dma_start3A_277 = arith.constant 0 : i32
      %dma_start3A_278 = arith.constant 0 : i32
      %dma_start3A_279 = tpu.memref_slice %dma_start3A_276[%dma_start3A_277, %add3A_256, %dma_start3A_278] : memref<128x8x128xf32, #tpu.memory_space<hbm>> -> memref<128x1x128xf32, #tpu.memory_space<hbm>>
      %dma_start3A_280 = tpu.memref_squeeze %dma_start3A_279 : memref<128x1x128xf32, #tpu.memory_space<hbm>> -> memref<128x128xf32, #tpu.memory_space<hbm>>
      tpu.enqueue_dma source(%dma_start3A_280 : memref<128x128xf32, #tpu.memory_space<hbm>>) target(%dma_start3A_271 : memref<128x128xf32, #tpu.memory_space<vmem>>) target_semaphore(%arg10 : memref<!tpu.dma_semaphore, #tpu.memory_space<semaphore_mem>>)
      %add3A_281 = arith.constant 3 : i32
      %add3A_282 = arith.addi %mul3A_199, %add3A_281 : i32
      %dma_start3A_283 = arith.constant 384 : i32
      %dma_start3A_284 = arith.constant 0 : i32
      %dma_start3A_285 = tpu.memref_slice %arg6[%dma_start3A_283, %dma_start3A_284] : memref<512x128xf32, #tpu.memory_space<vmem>> -> memref<128x128xf32, #tpu.memory_space<vmem>>
      %dma_start3A_286 = arith.constant 0 : i32
      %dma_start3A_287 = arith.constant 0 : i32
      %dma_start3A_288 = arith.constant 0 : i32
      %dma_start3A_289 = tpu.memref_slice %arg2[%add3A_202, %dma_start3A_286, %dma_start3A_287, %dma_start3A_288] : memref<64x128x8x128xf32, #tpu.memory_space<hbm>> -> memref<1x128x8x128xf32, #tpu.memory_space<hbm>>
      %dma_start3A_290 = tpu.memref_squeeze %dma_start3A_289 : memref<1x128x8x128xf32, #tpu.memory_space<hbm>> -> memref<128x8x128xf32, #tpu.memory_space<hbm>>
      %dma_start3A_291 = arith.constant 0 : i32
      %dma_start3A_292 = arith.constant 0 : i32
      %dma_start3A_293 = tpu.memref_slice %dma_start3A_290[%dma_start3A_291, %add3A_282, %dma_start3A_292] : memref<128x8x128xf32, #tpu.memory_space<hbm>> -> memref<128x1x128xf32, #tpu.memory_space<hbm>>
      %dma_start3A_294 = tpu.memref_squeeze %dma_start3A_293 : memref<128x1x128xf32, #tpu.memory_space<hbm>> -> memref<128x128xf32, #tpu.memory_space<hbm>>
      %dma_start3A_295 = arith.constant 384 : i32
      %dma_start3A_296 = arith.constant 0 : i32
      %dma_start3A_297 = tpu.memref_slice %arg6[%dma_start3A_295, %dma_start3A_296] : memref<512x128xf32, #tpu.memory_space<vmem>> -> memref<128x128xf32, #tpu.memory_space<vmem>>
      %dma_start3A_298 = arith.constant 0 : i32
      %dma_start3A_299 = arith.constant 0 : i32
      %dma_start3A_300 = arith.constant 0 : i32
      %dma_start3A_301 = tpu.memref_slice %arg2[%add3A_202, %dma_start3A_298, %dma_start3A_299, %dma_start3A_300] : memref<64x128x8x128xf32, #tpu.memory_space<hbm>> -> memref<1x128x8x128xf32, #tpu.memory_space<hbm>>
      %dma_start3A_302 = tpu.memref_squeeze %dma_start3A_301 : memref<1x128x8x128xf32, #tpu.memory_space<hbm>> -> memref<128x8x128xf32, #tpu.memory_space<hbm>>
      %dma_start3A_303 = arith.constant 0 : i32
      %dma_start3A_304 = arith.constant 0 : i32
      %dma_start3A_305 = tpu.memref_slice %dma_start3A_302[%dma_start3A_303, %add3A_282, %dma_start3A_304] : memref<128x8x128xf32, #tpu.memory_space<hbm>> -> memref<128x1x128xf32, #tpu.memory_space<hbm>>
      %dma_start3A_306 = tpu.memref_squeeze %dma_start3A_305 : memref<128x1x128xf32, #tpu.memory_space<hbm>> -> memref<128x128xf32, #tpu.memory_space<hbm>>
      tpu.enqueue_dma source(%dma_start3A_306 : memref<128x128xf32, #tpu.memory_space<hbm>>) target(%dma_start3A_297 : memref<128x128xf32, #tpu.memory_space<vmem>>) target_semaphore(%arg10 : memref<!tpu.dma_semaphore, #tpu.memory_space<semaphore_mem>>)
      %eq3A_307 = arith.constant 0 : i32
      %eq3A_308 = arith.cmpi eq, %scan3A_156, %eq3A_307 : i32
      %convert_element_type3A = arith.extui %eq3A_308 : i1 to i32
      %cond3A = arith.constant 0 : i32
      %cond3A_309 = arith.cmpi ne, %convert_element_type3A, %cond3A : i32
      scf.if %cond3A_309 {
        %dma_wait3A_420 = arith.constant 0 : i32
        %dma_wait3A_421 = arith.constant 0 : i32
        %dma_wait3A_422 = tpu.memref_slice %arg3[%select_n3A, %dma_wait3A_420, %dma_wait3A_421] : memref<8x32x1024xi32, #tpu.memory_space<hbm>> -> memref<1x32x1024xi32, #tpu.memory_space<hbm>>
        %dma_wait3A_423 = tpu.memref_squeeze %dma_wait3A_422 : memref<1x32x1024xi32, #tpu.memory_space<hbm>> -> memref<32x1024xi32, #tpu.memory_space<hbm>>
        %dma_wait3A_424 = arith.constant 0 : i32
        %dma_wait3A_425 = arith.constant 0 : i32
        %dma_wait3A_426 = tpu.memref_slice %arg3[%select_n3A, %dma_wait3A_424, %dma_wait3A_425] : memref<8x32x1024xi32, #tpu.memory_space<hbm>> -> memref<1x32x1024xi32, #tpu.memory_space<hbm>>
        %dma_wait3A_427 = tpu.memref_squeeze %dma_wait3A_426 : memref<1x32x1024xi32, #tpu.memory_space<hbm>> -> memref<32x1024xi32, #tpu.memory_space<hbm>>
        tpu.wait_dma2 semaphore(%arg10 : memref<!tpu.dma_semaphore, #tpu.memory_space<semaphore_mem>>) src(%dma_wait3A_427 : memref<32x1024xi32, #tpu.memory_space<hbm>>) dst(%arg5 : memref<32x1024xi32, #tpu.memory_space<vmem>>)
      } else {
      }
      %add3A_310 = arith.constant 0 : i32
      %add3A_311 = arith.addi %mul3A_199, %add3A_310 : i32
      %dma_wait3A_312 = arith.constant 0 : i32
      %dma_wait3A_313 = arith.constant 0 : i32
      %dma_wait3A_314 = tpu.memref_slice %arg6[%dma_wait3A_312, %dma_wait3A_313] : memref<512x128xf32, #tpu.memory_space<vmem>> -> memref<128x128xf32, #tpu.memory_space<vmem>>
      %dma_wait3A_315 = arith.constant 0 : i32
      %dma_wait3A_316 = arith.constant 0 : i32
      %dma_wait3A_317 = arith.constant 0 : i32
      %dma_wait3A_318 = tpu.memref_slice %arg2[%add3A_202, %dma_wait3A_315, %dma_wait3A_316, %dma_wait3A_317] : memref<64x128x8x128xf32, #tpu.memory_space<hbm>> -> memref<1x128x8x128xf32, #tpu.memory_space<hbm>>
      %dma_wait3A_319 = tpu.memref_squeeze %dma_wait3A_318 : memref<1x128x8x128xf32, #tpu.memory_space<hbm>> -> memref<128x8x128xf32, #tpu.memory_space<hbm>>
      %dma_wait3A_320 = arith.constant 0 : i32
      %dma_wait3A_321 = arith.constant 0 : i32
      %dma_wait3A_322 = tpu.memref_slice %dma_wait3A_319[%dma_wait3A_320, %add3A_311, %dma_wait3A_321] : memref<128x8x128xf32, #tpu.memory_space<hbm>> -> memref<128x1x128xf32, #tpu.memory_space<hbm>>
      %dma_wait3A_323 = tpu.memref_squeeze %dma_wait3A_322 : memref<128x1x128xf32, #tpu.memory_space<hbm>> -> memref<128x128xf32, #tpu.memory_space<hbm>>
      %dma_wait3A_324 = arith.constant 0 : i32
      %dma_wait3A_325 = arith.constant 0 : i32
      %dma_wait3A_326 = tpu.memref_slice %arg6[%dma_wait3A_324, %dma_wait3A_325] : memref<512x128xf32, #tpu.memory_space<vmem>> -> memref<128x128xf32, #tpu.memory_space<vmem>>
      %dma_wait3A_327 = arith.constant 0 : i32
      %dma_wait3A_328 = arith.constant 0 : i32
      %dma_wait3A_329 = arith.constant 0 : i32
      %dma_wait3A_330 = tpu.memref_slice %arg2[%add3A_202, %dma_wait3A_327, %dma_wait3A_328, %dma_wait3A_329] : memref<64x128x8x128xf32, #tpu.memory_space<hbm>> -> memref<1x128x8x128xf32, #tpu.memory_space<hbm>>
      %dma_wait3A_331 = tpu.memref_squeeze %dma_wait3A_330 : memref<1x128x8x128xf32, #tpu.memory_space<hbm>> -> memref<128x8x128xf32, #tpu.memory_space<hbm>>
      %dma_wait3A_332 = arith.constant 0 : i32
      %dma_wait3A_333 = arith.constant 0 : i32
      %dma_wait3A_334 = tpu.memref_slice %dma_wait3A_331[%dma_wait3A_332, %add3A_311, %dma_wait3A_333] : memref<128x8x128xf32, #tpu.memory_space<hbm>> -> memref<128x1x128xf32, #tpu.memory_space<hbm>>
      %dma_wait3A_335 = tpu.memref_squeeze %dma_wait3A_334 : memref<128x1x128xf32, #tpu.memory_space<hbm>> -> memref<128x128xf32, #tpu.memory_space<hbm>>
      tpu.wait_dma2 semaphore(%arg10 : memref<!tpu.dma_semaphore, #tpu.memory_space<semaphore_mem>>) src(%dma_wait3A_335 : memref<128x128xf32, #tpu.memory_space<hbm>>) dst(%dma_wait3A_326 : memref<128x128xf32, #tpu.memory_space<vmem>>)
      %add3A_336 = arith.constant 1 : i32
      %add3A_337 = arith.addi %mul3A_199, %add3A_336 : i32
      %dma_wait3A_338 = arith.constant 128 : i32
      %dma_wait3A_339 = arith.constant 0 : i32
      %dma_wait3A_340 = tpu.memref_slice %arg6[%dma_wait3A_338, %dma_wait3A_339] : memref<512x128xf32, #tpu.memory_space<vmem>> -> memref<128x128xf32, #tpu.memory_space<vmem>>
      %dma_wait3A_341 = arith.constant 0 : i32
      %dma_wait3A_342 = arith.constant 0 : i32
      %dma_wait3A_343 = arith.constant 0 : i32
      %dma_wait3A_344 = tpu.memref_slice %arg2[%add3A_202, %dma_wait3A_341, %dma_wait3A_342, %dma_wait3A_343] : memref<64x128x8x128xf32, #tpu.memory_space<hbm>> -> memref<1x128x8x128xf32, #tpu.memory_space<hbm>>
      %dma_wait3A_345 = tpu.memref_squeeze %dma_wait3A_344 : memref<1x128x8x128xf32, #tpu.memory_space<hbm>> -> memref<128x8x128xf32, #tpu.memory_space<hbm>>
      %dma_wait3A_346 = arith.constant 0 : i32
      %dma_wait3A_347 = arith.constant 0 : i32
      %dma_wait3A_348 = tpu.memref_slice %dma_wait3A_345[%dma_wait3A_346, %add3A_337, %dma_wait3A_347] : memref<128x8x128xf32, #tpu.memory_space<hbm>> -> memref<128x1x128xf32, #tpu.memory_space<hbm>>
      %dma_wait3A_349 = tpu.memref_squeeze %dma_wait3A_348 : memref<128x1x128xf32, #tpu.memory_space<hbm>> -> memref<128x128xf32, #tpu.memory_space<hbm>>
      %dma_wait3A_350 = arith.constant 128 : i32
      %dma_wait3A_351 = arith.constant 0 : i32
      %dma_wait3A_352 = tpu.memref_slice %arg6[%dma_wait3A_350, %dma_wait3A_351] : memref<512x128xf32, #tpu.memory_space<vmem>> -> memref<128x128xf32, #tpu.memory_space<vmem>>
      %dma_wait3A_353 = arith.constant 0 : i32
      %dma_wait3A_354 = arith.constant 0 : i32
      %dma_wait3A_355 = arith.constant 0 : i32
      %dma_wait3A_356 = tpu.memref_slice %arg2[%add3A_202, %dma_wait3A_353, %dma_wait3A_354, %dma_wait3A_355] : memref<64x128x8x128xf32, #tpu.memory_space<hbm>> -> memref<1x128x8x128xf32, #tpu.memory_space<hbm>>
      %dma_wait3A_357 = tpu.memref_squeeze %dma_wait3A_356 : memref<1x128x8x128xf32, #tpu.memory_space<hbm>> -> memref<128x8x128xf32, #tpu.memory_space<hbm>>
      %dma_wait3A_358 = arith.constant 0 : i32
      %dma_wait3A_359 = arith.constant 0 : i32
      %dma_wait3A_360 = tpu.memref_slice %dma_wait3A_357[%dma_wait3A_358, %add3A_337, %dma_wait3A_359] : memref<128x8x128xf32, #tpu.memory_space<hbm>> -> memref<128x1x128xf32, #tpu.memory_space<hbm>>
      %dma_wait3A_361 = tpu.memref_squeeze %dma_wait3A_360 : memref<128x1x128xf32, #tpu.memory_space<hbm>> -> memref<128x128xf32, #tpu.memory_space<hbm>>
      tpu.wait_dma2 semaphore(%arg10 : memref<!tpu.dma_semaphore, #tpu.memory_space<semaphore_mem>>) src(%dma_wait3A_361 : memref<128x128xf32, #tpu.memory_space<hbm>>) dst(%dma_wait3A_352 : memref<128x128xf32, #tpu.memory_space<vmem>>)
      %add3A_362 = arith.constant 2 : i32
      %add3A_363 = arith.addi %mul3A_199, %add3A_362 : i32
      %dma_wait3A_364 = arith.constant 256 : i32
      %dma_wait3A_365 = arith.constant 0 : i32
      %dma_wait3A_366 = tpu.memref_slice %arg6[%dma_wait3A_364, %dma_wait3A_365] : memref<512x128xf32, #tpu.memory_space<vmem>> -> memref<128x128xf32, #tpu.memory_space<vmem>>
      %dma_wait3A_367 = arith.constant 0 : i32
      %dma_wait3A_368 = arith.constant 0 : i32
      %dma_wait3A_369 = arith.constant 0 : i32
      %dma_wait3A_370 = tpu.memref_slice %arg2[%add3A_202, %dma_wait3A_367, %dma_wait3A_368, %dma_wait3A_369] : memref<64x128x8x128xf32, #tpu.memory_space<hbm>> -> memref<1x128x8x128xf32, #tpu.memory_space<hbm>>
      %dma_wait3A_371 = tpu.memref_squeeze %dma_wait3A_370 : memref<1x128x8x128xf32, #tpu.memory_space<hbm>> -> memref<128x8x128xf32, #tpu.memory_space<hbm>>
      %dma_wait3A_372 = arith.constant 0 : i32
      %dma_wait3A_373 = arith.constant 0 : i32
      %dma_wait3A_374 = tpu.memref_slice %dma_wait3A_371[%dma_wait3A_372, %add3A_363, %dma_wait3A_373] : memref<128x8x128xf32, #tpu.memory_space<hbm>> -> memref<128x1x128xf32, #tpu.memory_space<hbm>>
      %dma_wait3A_375 = tpu.memref_squeeze %dma_wait3A_374 : memref<128x1x128xf32, #tpu.memory_space<hbm>> -> memref<128x128xf32, #tpu.memory_space<hbm>>
      %dma_wait3A_376 = arith.constant 256 : i32
      %dma_wait3A_377 = arith.constant 0 : i32
      %dma_wait3A_378 = tpu.memref_slice %arg6[%dma_wait3A_376, %dma_wait3A_377] : memref<512x128xf32, #tpu.memory_space<vmem>> -> memref<128x128xf32, #tpu.memory_space<vmem>>
      %dma_wait3A_379 = arith.constant 0 : i32
      %dma_wait3A_380 = arith.constant 0 : i32
      %dma_wait3A_381 = arith.constant 0 : i32
      %dma_wait3A_382 = tpu.memref_slice %arg2[%add3A_202, %dma_wait3A_379, %dma_wait3A_380, %dma_wait3A_381] : memref<64x128x8x128xf32, #tpu.memory_space<hbm>> -> memref<1x128x8x128xf32, #tpu.memory_space<hbm>>
      %dma_wait3A_383 = tpu.memref_squeeze %dma_wait3A_382 : memref<1x128x8x128xf32, #tpu.memory_space<hbm>> -> memref<128x8x128xf32, #tpu.memory_space<hbm>>
      %dma_wait3A_384 = arith.constant 0 : i32
      %dma_wait3A_385 = arith.constant 0 : i32
      %dma_wait3A_386 = tpu.memref_slice %dma_wait3A_383[%dma_wait3A_384, %add3A_363, %dma_wait3A_385] : memref<128x8x128xf32, #tpu.memory_space<hbm>> -> memref<128x1x128xf32, #tpu.memory_space<hbm>>
      %dma_wait3A_387 = tpu.memref_squeeze %dma_wait3A_386 : memref<128x1x128xf32, #tpu.memory_space<hbm>> -> memref<128x128xf32, #tpu.memory_space<hbm>>
      tpu.wait_dma2 semaphore(%arg10 : memref<!tpu.dma_semaphore, #tpu.memory_space<semaphore_mem>>) src(%dma_wait3A_387 : memref<128x128xf32, #tpu.memory_space<hbm>>) dst(%dma_wait3A_378 : memref<128x128xf32, #tpu.memory_space<vmem>>)
      %add3A_388 = arith.constant 3 : i32
      %add3A_389 = arith.addi %mul3A_199, %add3A_388 : i32
      %dma_wait3A_390 = arith.constant 384 : i32
      %dma_wait3A_391 = arith.constant 0 : i32
      %dma_wait3A_392 = tpu.memref_slice %arg6[%dma_wait3A_390, %dma_wait3A_391] : memref<512x128xf32, #tpu.memory_space<vmem>> -> memref<128x128xf32, #tpu.memory_space<vmem>>
      %dma_wait3A_393 = arith.constant 0 : i32
      %dma_wait3A_394 = arith.constant 0 : i32
      %dma_wait3A_395 = arith.constant 0 : i32
      %dma_wait3A_396 = tpu.memref_slice %arg2[%add3A_202, %dma_wait3A_393, %dma_wait3A_394, %dma_wait3A_395] : memref<64x128x8x128xf32, #tpu.memory_space<hbm>> -> memref<1x128x8x128xf32, #tpu.memory_space<hbm>>
      %dma_wait3A_397 = tpu.memref_squeeze %dma_wait3A_396 : memref<1x128x8x128xf32, #tpu.memory_space<hbm>> -> memref<128x8x128xf32, #tpu.memory_space<hbm>>
      %dma_wait3A_398 = arith.constant 0 : i32
      %dma_wait3A_399 = arith.constant 0 : i32
      %dma_wait3A_400 = tpu.memref_slice %dma_wait3A_397[%dma_wait3A_398, %add3A_389, %dma_wait3A_399] : memref<128x8x128xf32, #tpu.memory_space<hbm>> -> memref<128x1x128xf32, #tpu.memory_space<hbm>>
      %dma_wait3A_401 = tpu.memref_squeeze %dma_wait3A_400 : memref<128x1x128xf32, #tpu.memory_space<hbm>> -> memref<128x128xf32, #tpu.memory_space<hbm>>
      %dma_wait3A_402 = arith.constant 384 : i32
      %dma_wait3A_403 = arith.constant 0 : i32
      %dma_wait3A_404 = tpu.memref_slice %arg6[%dma_wait3A_402, %dma_wait3A_403] : memref<512x128xf32, #tpu.memory_space<vmem>> -> memref<128x128xf32, #tpu.memory_space<vmem>>
      %dma_wait3A_405 = arith.constant 0 : i32
      %dma_wait3A_406 = arith.constant 0 : i32
      %dma_wait3A_407 = arith.constant 0 : i32
      %dma_wait3A_408 = tpu.memref_slice %arg2[%add3A_202, %dma_wait3A_405, %dma_wait3A_406, %dma_wait3A_407] : memref<64x128x8x128xf32, #tpu.memory_space<hbm>> -> memref<1x128x8x128xf32, #tpu.memory_space<hbm>>
      %dma_wait3A_409 = tpu.memref_squeeze %dma_wait3A_408 : memref<1x128x8x128xf32, #tpu.memory_space<hbm>> -> memref<128x8x128xf32, #tpu.memory_space<hbm>>
      %dma_wait3A_410 = arith.constant 0 : i32
      %dma_wait3A_411 = arith.constant 0 : i32
      %dma_wait3A_412 = tpu.memref_slice %dma_wait3A_409[%dma_wait3A_410, %add3A_389, %dma_wait3A_411] : memref<128x8x128xf32, #tpu.memory_space<hbm>> -> memref<128x1x128xf32, #tpu.memory_space<hbm>>
      %dma_wait3A_413 = tpu.memref_squeeze %dma_wait3A_412 : memref<128x1x128xf32, #tpu.memory_space<hbm>> -> memref<128x128xf32, #tpu.memory_space<hbm>>
      tpu.wait_dma2 semaphore(%arg10 : memref<!tpu.dma_semaphore, #tpu.memory_space<semaphore_mem>>) src(%dma_wait3A_413 : memref<128x128xf32, #tpu.memory_space<hbm>>) dst(%dma_wait3A_404 : memref<128x128xf32, #tpu.memory_space<vmem>>)
      %scan3A_414 = arith.constant 0 : i32
      %scan3A_415 = arith.constant 0 : i32
      %scan3A_416 = arith.constant 16 : i32
      %scan3A_417 = arith.addi %scan3A_415, %scan3A_416 : i32
      %scan3A_418 = arith.constant 1 : i32
      scf.for %scan3A_420 = %scan3A_415 to %scan3A_417 step %scan3A_418  : i32 {
        %mul3A_421 = arith.constant 2 : i32
        %mul3A_422 = arith.muli %mul3A_421, %scan3A_420 : i32
        %add3A_423 = arith.constant 0 : i32
        %add3A_424 = arith.addi %mul3A_422, %add3A_423 : i32
        %gt3A = arith.constant 0 : i32
        %gt3A_425 = arith.cmpi sgt, %scan3A_156, %gt3A : i32
        %ge3A = arith.constant 1 : i32
        %ge3A_426 = arith.cmpi sge, %scan3A_420, %ge3A : i32
        %or3A = arith.ori %gt3A_425, %ge3A_426 : i1
        %convert_element_type3A_427 = arith.extui %or3A : i1 to i32
        %cond3A_428 = arith.constant 0 : i32
        %cond3A_429 = arith.cmpi ne, %convert_element_type3A_427, %cond3A_428 : i32
        scf.if %cond3A_429 {
          %dma_wait3A_553 = arith.constant 0 : i32
          %dma_wait3A_554 = arith.constant 0 : i32
          %dma_wait3A_555 = arith.constant 0 : i32
          %dma_wait3A_556 = arith.constant 0 : i32
          %dma_wait3A_557 = arith.constant 0 : i32
          %dma_wait3A_558 = tpu.memref_slice %arg7[%dma_wait3A_553, %dma_wait3A_555, %dma_wait3A_556, %dma_wait3A_557] : memref<2x8x4x128xf32, #tpu.memory_space<vmem>> -> memref<1x8x4x128xf32, #tpu.memory_space<vmem>>
          %dma_wait3A_559 = tpu.memref_squeeze %dma_wait3A_558 : memref<1x8x4x128xf32, #tpu.memory_space<vmem>> -> memref<8x4x128xf32, #tpu.memory_space<vmem>>
          %dma_wait3A_560 = arith.constant 0 : i32
          %dma_wait3A_561 = arith.constant 0 : i32
          %dma_wait3A_562 = arith.constant 0 : i32
          %dma_wait3A_563 = arith.constant 0 : i32
          %dma_wait3A_564 = arith.constant 0 : i32
          %dma_wait3A_565 = tpu.memref_slice %arg4[%select_n3A, %dma_wait3A_560, %dma_wait3A_561, %dma_wait3A_562, %dma_wait3A_563, %dma_wait3A_564] : memref<8x32x8x8x8x128xf32, #tpu.memory_space<hbm>> -> memref<1x32x8x8x8x128xf32, #tpu.memory_space<hbm>>
          %dma_wait3A_566 = tpu.memref_squeeze %dma_wait3A_565 : memref<1x32x8x8x8x128xf32, #tpu.memory_space<hbm>> -> memref<32x8x8x8x128xf32, #tpu.memory_space<hbm>>
          %dma_wait3A_567 = arith.constant 0 : i32
          %dma_wait3A_568 = arith.constant 0 : i32
          %dma_wait3A_569 = arith.constant 0 : i32
          %dma_wait3A_570 = arith.constant 0 : i32
          %dma_wait3A_571 = tpu.memref_slice %dma_wait3A_566[%dma_wait3A_554, %dma_wait3A_567, %dma_wait3A_568, %dma_wait3A_569, %dma_wait3A_570] : memref<32x8x8x8x128xf32, #tpu.memory_space<hbm>> -> memref<1x8x8x8x128xf32, #tpu.memory_space<hbm>>
          %dma_wait3A_572 = tpu.memref_squeeze %dma_wait3A_571 : memref<1x8x8x8x128xf32, #tpu.memory_space<hbm>> -> memref<8x8x8x128xf32, #tpu.memory_space<hbm>>
          %dma_wait3A_573 = arith.constant 0 : i32
          %dma_wait3A_574 = arith.constant 0 : i32
          %dma_wait3A_575 = arith.constant 0 : i32
          %dma_wait3A_576 = tpu.memref_slice %dma_wait3A_572[%mul3A_32, %dma_wait3A_573, %dma_wait3A_574, %dma_wait3A_575] : memref<8x8x8x128xf32, #tpu.memory_space<hbm>> -> memref<1x8x8x128xf32, #tpu.memory_space<hbm>>
          %dma_wait3A_577 = tpu.memref_squeeze %dma_wait3A_576 : memref<1x8x8x128xf32, #tpu.memory_space<hbm>> -> memref<8x8x128xf32, #tpu.memory_space<hbm>>
          %dma_wait3A_578 = arith.constant 0 : i32
          %dma_wait3A_579 = arith.constant 0 : i32
          %dma_wait3A_580 = arith.constant 0 : i32
          %dma_wait3A_581 = tpu.memref_slice %dma_wait3A_577[%dma_wait3A_578, %dma_wait3A_579, %dma_wait3A_580] : memref<8x8x128xf32, #tpu.memory_space<hbm>> -> memref<8x4x128xf32, #tpu.memory_space<hbm>>
          %dma_wait3A_582 = arith.constant 0 : i32
          %dma_wait3A_583 = arith.constant 0 : i32
          %dma_wait3A_584 = arith.constant 0 : i32
          %dma_wait3A_585 = arith.constant 0 : i32
          %dma_wait3A_586 = arith.constant 0 : i32
          %dma_wait3A_587 = tpu.memref_slice %arg4[%select_n3A, %dma_wait3A_582, %dma_wait3A_583, %dma_wait3A_584, %dma_wait3A_585, %dma_wait3A_586] : memref<8x32x8x8x8x128xf32, #tpu.memory_space<hbm>> -> memref<1x32x8x8x8x128xf32, #tpu.memory_space<hbm>>
          %dma_wait3A_588 = tpu.memref_squeeze %dma_wait3A_587 : memref<1x32x8x8x8x128xf32, #tpu.memory_space<hbm>> -> memref<32x8x8x8x128xf32, #tpu.memory_space<hbm>>
          %dma_wait3A_589 = arith.constant 0 : i32
          %dma_wait3A_590 = arith.constant 0 : i32
          %dma_wait3A_591 = arith.constant 0 : i32
          %dma_wait3A_592 = arith.constant 0 : i32
          %dma_wait3A_593 = tpu.memref_slice %dma_wait3A_588[%dma_wait3A_554, %dma_wait3A_589, %dma_wait3A_590, %dma_wait3A_591, %dma_wait3A_592] : memref<32x8x8x8x128xf32, #tpu.memory_space<hbm>> -> memref<1x8x8x8x128xf32, #tpu.memory_space<hbm>>
          %dma_wait3A_594 = tpu.memref_squeeze %dma_wait3A_593 : memref<1x8x8x8x128xf32, #tpu.memory_space<hbm>> -> memref<8x8x8x128xf32, #tpu.memory_space<hbm>>
          %dma_wait3A_595 = arith.constant 0 : i32
          %dma_wait3A_596 = arith.constant 0 : i32
          %dma_wait3A_597 = arith.constant 0 : i32
          %dma_wait3A_598 = tpu.memref_slice %dma_wait3A_594[%mul3A_32, %dma_wait3A_595, %dma_wait3A_596, %dma_wait3A_597] : memref<8x8x8x128xf32, #tpu.memory_space<hbm>> -> memref<1x8x8x128xf32, #tpu.memory_space<hbm>>
          %dma_wait3A_599 = tpu.memref_squeeze %dma_wait3A_598 : memref<1x8x8x128xf32, #tpu.memory_space<hbm>> -> memref<8x8x128xf32, #tpu.memory_space<hbm>>
          %dma_wait3A_600 = arith.constant 0 : i32
          %dma_wait3A_601 = arith.constant 0 : i32
          %dma_wait3A_602 = arith.constant 0 : i32
          %dma_wait3A_603 = tpu.memref_slice %dma_wait3A_599[%dma_wait3A_600, %dma_wait3A_601, %dma_wait3A_602] : memref<8x8x128xf32, #tpu.memory_space<hbm>> -> memref<8x4x128xf32, #tpu.memory_space<hbm>>
          %dma_wait3A_604 = arith.constant 0 : i32
          %dma_wait3A_605 = arith.constant 0 : i32
          %dma_wait3A_606 = arith.constant 0 : i32
          %dma_wait3A_607 = tpu.memref_slice %arg7[%dma_wait3A_553, %dma_wait3A_604, %dma_wait3A_605, %dma_wait3A_606] : memref<2x8x4x128xf32, #tpu.memory_space<vmem>> -> memref<1x8x4x128xf32, #tpu.memory_space<vmem>>
          %dma_wait3A_608 = tpu.memref_squeeze %dma_wait3A_607 : memref<1x8x4x128xf32, #tpu.memory_space<vmem>> -> memref<8x4x128xf32, #tpu.memory_space<vmem>>
          tpu.wait_dma2 semaphore(%arg8 : memref<!tpu.dma_semaphore, #tpu.memory_space<semaphore_mem>>) src(%dma_wait3A_608 : memref<8x4x128xf32, #tpu.memory_space<vmem>>) dst(%dma_wait3A_603 : memref<8x4x128xf32, #tpu.memory_space<hbm>>)
        } else {
        }
        %parallel_loop3A = arith.constant 0 : i32
        %parallel_loop3A_430 = arith.constant 64 : i32
        %parallel_loop3A_431 = arith.constant 1 : i32
        scf.for %parallel_loop3A_553 = %parallel_loop3A to %parallel_loop3A_430 step %parallel_loop3A_431  : i32 {
          %parallel_loop3A_554 = arith.constant 16 : i32
          %parallel_loop3A_555 = arith.muli %parallel_loop3A_553, %parallel_loop3A_554 : i32
          %parallel_loop3A_556 = arith.index_cast %add3A_424 : i32 to index
          %parallel_loop3A_557 = arith.index_cast %parallel_loop3A_555 : i32 to index
          %parallel_loop3A_558 = tpu.vector_load %arg5[%parallel_loop3A_556, %parallel_loop3A_557] {strides = array<i32>} : memref<32x1024xi32, #tpu.memory_space<vmem>>, vector<16xi32>,
          %parallel_loop3A_559 = arith.constant 7 : i32
          %parallel_loop3A_560 = vector.broadcast %parallel_loop3A_559 : i32 to vector<16xi32>
          %parallel_loop3A_561 = arith.shrsi %parallel_loop3A_558, %parallel_loop3A_560 : vector<16xi32>
          %parallel_loop3A_562 = arith.constant 127 : i32
          %parallel_loop3A_563 = vector.broadcast %parallel_loop3A_562 : i32 to vector<16xi32>
          %parallel_loop3A_564 = arith.andi %parallel_loop3A_558, %parallel_loop3A_563 : vector<16xi32>
          %parallel_loop3A_565 = arith.constant 8 : i32
          %parallel_loop3A_566 = arith.divsi %parallel_loop3A_553, %parallel_loop3A_565 : i32
          %parallel_loop3A_567 = arith.constant 0 : i32
          %parallel_loop3A_568 = arith.cmpi sgt, %parallel_loop3A_553, %parallel_loop3A_567 : i32
          %parallel_loop3A_569 = arith.extui %parallel_loop3A_568 : i1 to i32
          %parallel_loop3A_570 = arith.constant 0 : i32
          %parallel_loop3A_571 = arith.cmpi slt, %parallel_loop3A_553, %parallel_loop3A_570 : i32
          %parallel_loop3A_572 = arith.extui %parallel_loop3A_571 : i1 to i32
          %parallel_loop3A_573 = arith.subi %parallel_loop3A_569, %parallel_loop3A_572 : i32
          %parallel_loop3A_574 = arith.constant 0 : i32
          %parallel_loop3A_575 = arith.cmpi sgt, %parallel_loop3A_565, %parallel_loop3A_574 : i32
          %parallel_loop3A_576 = arith.extui %parallel_loop3A_575 : i1 to i32
          %parallel_loop3A_577 = arith.constant 0 : i32
          %parallel_loop3A_578 = arith.cmpi slt, %parallel_loop3A_565, %parallel_loop3A_577 : i32
          %parallel_loop3A_579 = arith.extui %parallel_loop3A_578 : i1 to i32
          %parallel_loop3A_580 = arith.subi %parallel_loop3A_576, %parallel_loop3A_579 : i32
          %parallel_loop3A_581 = arith.cmpi ne, %parallel_loop3A_573, %parallel_loop3A_580 : i32
          %parallel_loop3A_582 = arith.remsi %parallel_loop3A_553, %parallel_loop3A_565 : i32
          %parallel_loop3A_583 = arith.constant 0 : i32
          %parallel_loop3A_584 = arith.cmpi ne, %parallel_loop3A_582, %parallel_loop3A_583 : i32
          %parallel_loop3A_585 = arith.andi %parallel_loop3A_581, %parallel_loop3A_584 : i1
          %parallel_loop3A_586 = arith.constant 1 : i32
          %parallel_loop3A_587 = arith.subi %parallel_loop3A_566, %parallel_loop3A_586 : i32
          %parallel_loop3A_588 = arith.select %parallel_loop3A_585, %parallel_loop3A_587, %parallel_loop3A_566 : i32
          %parallel_loop3A_589 = arith.constant 8 : i32
          %parallel_loop3A_590 = arith.constant 0 : i32
          %parallel_loop3A_591 = arith.cmpi eq, %parallel_loop3A_589, %parallel_loop3A_590 : i32
          %parallel_loop3A_592 = arith.constant 1 : i32
          %parallel_loop3A_593 = arith.select %parallel_loop3A_591, %parallel_loop3A_592, %parallel_loop3A_589 : i32
          %parallel_loop3A_594 = arith.remsi %parallel_loop3A_553, %parallel_loop3A_593 : i32
          %parallel_loop3A_595 = arith.constant 0 : i32
          %parallel_loop3A_596 = arith.cmpi ne, %parallel_loop3A_594, %parallel_loop3A_595 : i32
          %parallel_loop3A_597 = arith.constant 0 : i32
          %parallel_loop3A_598 = arith.cmpi slt, %parallel_loop3A_594, %parallel_loop3A_597 : i32
          %parallel_loop3A_599 = arith.constant 0 : i32
          %parallel_loop3A_600 = arith.cmpi slt, %parallel_loop3A_593, %parallel_loop3A_599 : i32
          %parallel_loop3A_601 = arith.xori %parallel_loop3A_598, %parallel_loop3A_600 : i1
          %parallel_loop3A_602 = arith.andi %parallel_loop3A_601, %parallel_loop3A_596 : i1
          %parallel_loop3A_603 = arith.addi %parallel_loop3A_594, %parallel_loop3A_593 : i32
          %parallel_loop3A_604 = arith.select %parallel_loop3A_602, %parallel_loop3A_603, %parallel_loop3A_594 : i32
          %parallel_loop3A_605 = arith.constant 0 : i32
          %parallel_loop3A_606 = vector.broadcast %parallel_loop3A_605 : i32 to vector<16xi32>
          %parallel_loop3A_607 = arith.addi %parallel_loop3A_606, %parallel_loop3A_561 : vector<16xi32>
          %parallel_loop3A_608 = tpu.vector_load_idx %arg6[%parallel_loop3A_607, %parallel_loop3A_564] : memref<512x128xf32, #tpu.memory_space<vmem>>[vector<16xi32>, vector<16xi32>], vector<16xf32>,
          %parallel_loop3A_609 = arith.constant 16 : i32
          %parallel_loop3A_610 = arith.muli %parallel_loop3A_604, %parallel_loop3A_609 : i32
          %parallel_loop3A_611 = arith.constant 0 : i32
          %parallel_loop3A_612 = arith.constant 0 : i32
          %parallel_loop3A_613 = arith.index_cast %parallel_loop3A_611 : i32 to index
          %parallel_loop3A_614 = arith.index_cast %parallel_loop3A_588 : i32 to index
          %parallel_loop3A_615 = arith.index_cast %parallel_loop3A_612 : i32 to index
          %parallel_loop3A_616 = arith.index_cast %parallel_loop3A_610 : i32 to index
          %parallel_loop3A_617 = tpu.vector_load %arg7[%parallel_loop3A_613, %parallel_loop3A_614, %parallel_loop3A_615, %parallel_loop3A_616] {strides = array<i32>} : memref<2x8x4x128xf32, #tpu.memory_space<vmem>>, vector<16xf32>,
          tpu.vector_store %arg7[%parallel_loop3A_613, %parallel_loop3A_614, %parallel_loop3A_615, %parallel_loop3A_616], %parallel_loop3A_608 {strides = array<i32>} : memref<2x8x4x128xf32, #tpu.memory_space<vmem>>, vector<16xf32>,
          %parallel_loop3A_618 = arith.constant 128 : i32
          %parallel_loop3A_619 = vector.broadcast %parallel_loop3A_618 : i32 to vector<16xi32>
          %parallel_loop3A_620 = arith.addi %parallel_loop3A_619, %parallel_loop3A_561 : vector<16xi32>
          %parallel_loop3A_621 = tpu.vector_load_idx %arg6[%parallel_loop3A_620, %parallel_loop3A_564] : memref<512x128xf32, #tpu.memory_space<vmem>>[vector<16xi32>, vector<16xi32>], vector<16xf32>,
          %parallel_loop3A_622 = arith.constant 16 : i32
          %parallel_loop3A_623 = arith.muli %parallel_loop3A_604, %parallel_loop3A_622 : i32
          %parallel_loop3A_624 = arith.constant 0 : i32
          %parallel_loop3A_625 = arith.constant 1 : i32
          %parallel_loop3A_626 = arith.index_cast %parallel_loop3A_624 : i32 to index
          %parallel_loop3A_627 = arith.index_cast %parallel_loop3A_588 : i32 to index
          %parallel_loop3A_628 = arith.index_cast %parallel_loop3A_625 : i32 to index
          %parallel_loop3A_629 = arith.index_cast %parallel_loop3A_623 : i32 to index
          %parallel_loop3A_630 = tpu.vector_load %arg7[%parallel_loop3A_626, %parallel_loop3A_627, %parallel_loop3A_628, %parallel_loop3A_629] {strides = array<i32>} : memref<2x8x4x128xf32, #tpu.memory_space<vmem>>, vector<16xf32>,
          tpu.vector_store %arg7[%parallel_loop3A_626, %parallel_loop3A_627, %parallel_loop3A_628, %parallel_loop3A_629], %parallel_loop3A_621 {strides = array<i32>} : memref<2x8x4x128xf32, #tpu.memory_space<vmem>>, vector<16xf32>,
          %parallel_loop3A_631 = arith.constant 256 : i32
          %parallel_loop3A_632 = vector.broadcast %parallel_loop3A_631 : i32 to vector<16xi32>
          %parallel_loop3A_633 = arith.addi %parallel_loop3A_632, %parallel_loop3A_561 : vector<16xi32>
          %parallel_loop3A_634 = tpu.vector_load_idx %arg6[%parallel_loop3A_633, %parallel_loop3A_564] : memref<512x128xf32, #tpu.memory_space<vmem>>[vector<16xi32>, vector<16xi32>], vector<16xf32>,
          %parallel_loop3A_635 = arith.constant 16 : i32
          %parallel_loop3A_636 = arith.muli %parallel_loop3A_604, %parallel_loop3A_635 : i32
          %parallel_loop3A_637 = arith.constant 0 : i32
          %parallel_loop3A_638 = arith.constant 2 : i32
          %parallel_loop3A_639 = arith.index_cast %parallel_loop3A_637 : i32 to index
          %parallel_loop3A_640 = arith.index_cast %parallel_loop3A_588 : i32 to index
          %parallel_loop3A_641 = arith.index_cast %parallel_loop3A_638 : i32 to index
          %parallel_loop3A_642 = arith.index_cast %parallel_loop3A_636 : i32 to index
          %parallel_loop3A_643 = tpu.vector_load %arg7[%parallel_loop3A_639, %parallel_loop3A_640, %parallel_loop3A_641, %parallel_loop3A_642] {strides = array<i32>} : memref<2x8x4x128xf32, #tpu.memory_space<vmem>>, vector<16xf32>,
          tpu.vector_store %arg7[%parallel_loop3A_639, %parallel_loop3A_640, %parallel_loop3A_641, %parallel_loop3A_642], %parallel_loop3A_634 {strides = array<i32>} : memref<2x8x4x128xf32, #tpu.memory_space<vmem>>, vector<16xf32>,
          %parallel_loop3A_644 = arith.constant 384 : i32
          %parallel_loop3A_645 = vector.broadcast %parallel_loop3A_644 : i32 to vector<16xi32>
          %parallel_loop3A_646 = arith.addi %parallel_loop3A_645, %parallel_loop3A_561 : vector<16xi32>
          %parallel_loop3A_647 = tpu.vector_load_idx %arg6[%parallel_loop3A_646, %parallel_loop3A_564] : memref<512x128xf32, #tpu.memory_space<vmem>>[vector<16xi32>, vector<16xi32>], vector<16xf32>,
          %parallel_loop3A_648 = arith.constant 16 : i32
          %parallel_loop3A_649 = arith.muli %parallel_loop3A_604, %parallel_loop3A_648 : i32
          %parallel_loop3A_650 = arith.constant 0 : i32
          %parallel_loop3A_651 = arith.constant 3 : i32
          %parallel_loop3A_652 = arith.index_cast %parallel_loop3A_650 : i32 to index
          %parallel_loop3A_653 = arith.index_cast %parallel_loop3A_588 : i32 to index
          %parallel_loop3A_654 = arith.index_cast %parallel_loop3A_651 : i32 to index
          %parallel_loop3A_655 = arith.index_cast %parallel_loop3A_649 : i32 to index
          %parallel_loop3A_656 = tpu.vector_load %arg7[%parallel_loop3A_652, %parallel_loop3A_653, %parallel_loop3A_654, %parallel_loop3A_655] {strides = array<i32>} : memref<2x8x4x128xf32, #tpu.memory_space<vmem>>, vector<16xf32>,
          tpu.vector_store %arg7[%parallel_loop3A_652, %parallel_loop3A_653, %parallel_loop3A_654, %parallel_loop3A_655], %parallel_loop3A_647 {strides = array<i32>} : memref<2x8x4x128xf32, #tpu.memory_space<vmem>>, vector<16xf32>,
        } {sc.loop_unroll_factor = 4 : i64, sc.parallel_access}
        %dma_start3A_432 = arith.constant 0 : i32
        %dma_start3A_433 = arith.constant 0 : i32
        %dma_start3A_434 = arith.constant 0 : i32
        %dma_start3A_435 = arith.constant 0 : i32
        %dma_start3A_436 = tpu.memref_slice %arg7[%dma_start3A_432, %dma_start3A_433, %dma_start3A_434, %dma_start3A_435] : memref<2x8x4x128xf32, #tpu.memory_space<vmem>> -> memref<1x8x4x128xf32, #tpu.memory_space<vmem>>
        %dma_start3A_437 = tpu.memref_squeeze %dma_start3A_436 : memref<1x8x4x128xf32, #tpu.memory_space<vmem>> -> memref<8x4x128xf32, #tpu.memory_space<vmem>>
        %dma_start3A_438 = arith.constant 0 : i32
        %dma_start3A_439 = arith.constant 0 : i32
        %dma_start3A_440 = arith.constant 0 : i32
        %dma_start3A_441 = arith.constant 0 : i32
        %dma_start3A_442 = arith.constant 0 : i32
        %dma_start3A_443 = tpu.memref_slice %arg4[%select_n3A, %dma_start3A_438, %dma_start3A_439, %dma_start3A_440, %dma_start3A_441, %dma_start3A_442] : memref<8x32x8x8x8x128xf32, #tpu.memory_space<hbm>> -> memref<1x32x8x8x8x128xf32, #tpu.memory_space<hbm>>
        %dma_start3A_444 = tpu.memref_squeeze %dma_start3A_443 : memref<1x32x8x8x8x128xf32, #tpu.memory_space<hbm>> -> memref<32x8x8x8x128xf32, #tpu.memory_space<hbm>>
        %dma_start3A_445 = arith.constant 0 : i32
        %dma_start3A_446 = arith.constant 0 : i32
        %dma_start3A_447 = arith.constant 0 : i32
        %dma_start3A_448 = arith.constant 0 : i32
        %dma_start3A_449 = tpu.memref_slice %dma_start3A_444[%add3A_424, %dma_start3A_445, %dma_start3A_446, %dma_start3A_447, %dma_start3A_448] : memref<32x8x8x8x128xf32, #tpu.memory_space<hbm>> -> memref<1x8x8x8x128xf32, #tpu.memory_space<hbm>>
        %dma_start3A_450 = tpu.memref_squeeze %dma_start3A_449 : memref<1x8x8x8x128xf32, #tpu.memory_space<hbm>> -> memref<8x8x8x128xf32, #tpu.memory_space<hbm>>
        %dma_start3A_451 = arith.constant 0 : i32
        %dma_start3A_452 = arith.constant 0 : i32
        %dma_start3A_453 = arith.constant 0 : i32
        %dma_start3A_454 = tpu.memref_slice %dma_start3A_450[%add3A_181, %dma_start3A_451, %dma_start3A_452, %dma_start3A_453] : memref<8x8x8x128xf32, #tpu.memory_space<hbm>> -> memref<1x8x8x128xf32, #tpu.memory_space<hbm>>
        %dma_start3A_455 = tpu.memref_squeeze %dma_start3A_454 : memref<1x8x8x128xf32, #tpu.memory_space<hbm>> -> memref<8x8x128xf32, #tpu.memory_space<hbm>>
        %dma_start3A_456 = arith.constant 0 : i32
        %dma_start3A_457 = arith.constant 0 : i32
        %dma_start3A_458 = tpu.memref_slice %dma_start3A_455[%dma_start3A_456, %mul3A_199, %dma_start3A_457] : memref<8x8x128xf32, #tpu.memory_space<hbm>> -> memref<8x4x128xf32, #tpu.memory_space<hbm>>
        %dma_start3A_459 = arith.constant 0 : i32
        %dma_start3A_460 = arith.constant 0 : i32
        %dma_start3A_461 = arith.constant 0 : i32
        %dma_start3A_462 = arith.constant 0 : i32
        %dma_start3A_463 = arith.constant 0 : i32
        %dma_start3A_464 = tpu.memref_slice %arg4[%select_n3A, %dma_start3A_459, %dma_start3A_460, %dma_start3A_461, %dma_start3A_462, %dma_start3A_463] : memref<8x32x8x8x8x128xf32, #tpu.memory_space<hbm>> -> memref<1x32x8x8x8x128xf32, #tpu.memory_space<hbm>>
        %dma_start3A_465 = tpu.memref_squeeze %dma_start3A_464 : memref<1x32x8x8x8x128xf32, #tpu.memory_space<hbm>> -> memref<32x8x8x8x128xf32, #tpu.memory_space<hbm>>
        %dma_start3A_466 = arith.constant 0 : i32
        %dma_start3A_467 = arith.constant 0 : i32
        %dma_start3A_468 = arith.constant 0 : i32
        %dma_start3A_469 = arith.constant 0 : i32
        %dma_start3A_470 = tpu.memref_slice %dma_start3A_465[%add3A_424, %dma_start3A_466, %dma_start3A_467, %dma_start3A_468, %dma_start3A_469] : memref<32x8x8x8x128xf32, #tpu.memory_space<hbm>> -> memref<1x8x8x8x128xf32, #tpu.memory_space<hbm>>
        %dma_start3A_471 = tpu.memref_squeeze %dma_start3A_470 : memref<1x8x8x8x128xf32, #tpu.memory_space<hbm>> -> memref<8x8x8x128xf32, #tpu.memory_space<hbm>>
        %dma_start3A_472 = arith.constant 0 : i32
        %dma_start3A_473 = arith.constant 0 : i32
        %dma_start3A_474 = arith.constant 0 : i32
        %dma_start3A_475 = tpu.memref_slice %dma_start3A_471[%add3A_181, %dma_start3A_472, %dma_start3A_473, %dma_start3A_474] : memref<8x8x8x128xf32, #tpu.memory_space<hbm>> -> memref<1x8x8x128xf32, #tpu.memory_space<hbm>>
        %dma_start3A_476 = tpu.memref_squeeze %dma_start3A_475 : memref<1x8x8x128xf32, #tpu.memory_space<hbm>> -> memref<8x8x128xf32, #tpu.memory_space<hbm>>
        %dma_start3A_477 = arith.constant 0 : i32
        %dma_start3A_478 = arith.constant 0 : i32
        %dma_start3A_479 = tpu.memref_slice %dma_start3A_476[%dma_start3A_477, %mul3A_199, %dma_start3A_478] : memref<8x8x128xf32, #tpu.memory_space<hbm>> -> memref<8x4x128xf32, #tpu.memory_space<hbm>>
        %dma_start3A_480 = arith.constant 0 : i32
        %dma_start3A_481 = arith.constant 0 : i32
        %dma_start3A_482 = arith.constant 0 : i32
        %dma_start3A_483 = tpu.memref_slice %arg7[%dma_start3A_432, %dma_start3A_480, %dma_start3A_481, %dma_start3A_482] : memref<2x8x4x128xf32, #tpu.memory_space<vmem>> -> memref<1x8x4x128xf32, #tpu.memory_space<vmem>>
        %dma_start3A_484 = tpu.memref_squeeze %dma_start3A_483 : memref<1x8x4x128xf32, #tpu.memory_space<vmem>> -> memref<8x4x128xf32, #tpu.memory_space<vmem>>
        tpu.enqueue_dma source(%dma_start3A_484 : memref<8x4x128xf32, #tpu.memory_space<vmem>>) target(%dma_start3A_479 : memref<8x4x128xf32, #tpu.memory_space<hbm>>) target_semaphore(%arg8 : memref<!tpu.dma_semaphore, #tpu.memory_space<semaphore_mem>>)
        %mul3A_485 = arith.constant 2 : i32
        %mul3A_486 = arith.muli %mul3A_485, %scan3A_420 : i32
        %add3A_487 = arith.constant 1 : i32
        %add3A_488 = arith.addi %mul3A_486, %add3A_487 : i32
        %gt3A_489 = arith.constant 0 : i32
        %gt3A_490 = arith.cmpi sgt, %scan3A_156, %gt3A_489 : i32
        %ge3A_491 = arith.constant 1 : i32
        %ge3A_492 = arith.cmpi sge, %scan3A_420, %ge3A_491 : i32
        %or3A_493 = arith.ori %gt3A_490, %ge3A_492 : i1
        %convert_element_type3A_494 = arith.extui %or3A_493 : i1 to i32
        %cond3A_495 = arith.constant 0 : i32
        %cond3A_496 = arith.cmpi ne, %convert_element_type3A_494, %cond3A_495 : i32
        scf.if %cond3A_496 {
          %dma_wait3A_553 = arith.constant 1 : i32
          %dma_wait3A_554 = arith.constant 0 : i32
          %dma_wait3A_555 = arith.constant 0 : i32
          %dma_wait3A_556 = arith.constant 0 : i32
          %dma_wait3A_557 = arith.constant 0 : i32
          %dma_wait3A_558 = tpu.memref_slice %arg7[%dma_wait3A_553, %dma_wait3A_555, %dma_wait3A_556, %dma_wait3A_557] : memref<2x8x4x128xf32, #tpu.memory_space<vmem>> -> memref<1x8x4x128xf32, #tpu.memory_space<vmem>>
          %dma_wait3A_559 = tpu.memref_squeeze %dma_wait3A_558 : memref<1x8x4x128xf32, #tpu.memory_space<vmem>> -> memref<8x4x128xf32, #tpu.memory_space<vmem>>
          %dma_wait3A_560 = arith.constant 0 : i32
          %dma_wait3A_561 = arith.constant 0 : i32
          %dma_wait3A_562 = arith.constant 0 : i32
          %dma_wait3A_563 = arith.constant 0 : i32
          %dma_wait3A_564 = arith.constant 0 : i32
          %dma_wait3A_565 = tpu.memref_slice %arg4[%select_n3A, %dma_wait3A_560, %dma_wait3A_561, %dma_wait3A_562, %dma_wait3A_563, %dma_wait3A_564] : memref<8x32x8x8x8x128xf32, #tpu.memory_space<hbm>> -> memref<1x32x8x8x8x128xf32, #tpu.memory_space<hbm>>
          %dma_wait3A_566 = tpu.memref_squeeze %dma_wait3A_565 : memref<1x32x8x8x8x128xf32, #tpu.memory_space<hbm>> -> memref<32x8x8x8x128xf32, #tpu.memory_space<hbm>>
          %dma_wait3A_567 = arith.constant 0 : i32
          %dma_wait3A_568 = arith.constant 0 : i32
          %dma_wait3A_569 = arith.constant 0 : i32
          %dma_wait3A_570 = arith.constant 0 : i32
          %dma_wait3A_571 = tpu.memref_slice %dma_wait3A_566[%dma_wait3A_554, %dma_wait3A_567, %dma_wait3A_568, %dma_wait3A_569, %dma_wait3A_570] : memref<32x8x8x8x128xf32, #tpu.memory_space<hbm>> -> memref<1x8x8x8x128xf32, #tpu.memory_space<hbm>>
          %dma_wait3A_572 = tpu.memref_squeeze %dma_wait3A_571 : memref<1x8x8x8x128xf32, #tpu.memory_space<hbm>> -> memref<8x8x8x128xf32, #tpu.memory_space<hbm>>
          %dma_wait3A_573 = arith.constant 0 : i32
          %dma_wait3A_574 = arith.constant 0 : i32
          %dma_wait3A_575 = arith.constant 0 : i32
          %dma_wait3A_576 = tpu.memref_slice %dma_wait3A_572[%mul3A_32, %dma_wait3A_573, %dma_wait3A_574, %dma_wait3A_575] : memref<8x8x8x128xf32, #tpu.memory_space<hbm>> -> memref<1x8x8x128xf32, #tpu.memory_space<hbm>>
          %dma_wait3A_577 = tpu.memref_squeeze %dma_wait3A_576 : memref<1x8x8x128xf32, #tpu.memory_space<hbm>> -> memref<8x8x128xf32, #tpu.memory_space<hbm>>
          %dma_wait3A_578 = arith.constant 0 : i32
          %dma_wait3A_579 = arith.constant 0 : i32
          %dma_wait3A_580 = arith.constant 0 : i32
          %dma_wait3A_581 = tpu.memref_slice %dma_wait3A_577[%dma_wait3A_578, %dma_wait3A_579, %dma_wait3A_580] : memref<8x8x128xf32, #tpu.memory_space<hbm>> -> memref<8x4x128xf32, #tpu.memory_space<hbm>>
          %dma_wait3A_582 = arith.constant 0 : i32
          %dma_wait3A_583 = arith.constant 0 : i32
          %dma_wait3A_584 = arith.constant 0 : i32
          %dma_wait3A_585 = arith.constant 0 : i32
          %dma_wait3A_586 = arith.constant 0 : i32
          %dma_wait3A_587 = tpu.memref_slice %arg4[%select_n3A, %dma_wait3A_582, %dma_wait3A_583, %dma_wait3A_584, %dma_wait3A_585, %dma_wait3A_586] : memref<8x32x8x8x8x128xf32, #tpu.memory_space<hbm>> -> memref<1x32x8x8x8x128xf32, #tpu.memory_space<hbm>>
          %dma_wait3A_588 = tpu.memref_squeeze %dma_wait3A_587 : memref<1x32x8x8x8x128xf32, #tpu.memory_space<hbm>> -> memref<32x8x8x8x128xf32, #tpu.memory_space<hbm>>
          %dma_wait3A_589 = arith.constant 0 : i32
          %dma_wait3A_590 = arith.constant 0 : i32
          %dma_wait3A_591 = arith.constant 0 : i32
          %dma_wait3A_592 = arith.constant 0 : i32
          %dma_wait3A_593 = tpu.memref_slice %dma_wait3A_588[%dma_wait3A_554, %dma_wait3A_589, %dma_wait3A_590, %dma_wait3A_591, %dma_wait3A_592] : memref<32x8x8x8x128xf32, #tpu.memory_space<hbm>> -> memref<1x8x8x8x128xf32, #tpu.memory_space<hbm>>
          %dma_wait3A_594 = tpu.memref_squeeze %dma_wait3A_593 : memref<1x8x8x8x128xf32, #tpu.memory_space<hbm>> -> memref<8x8x8x128xf32, #tpu.memory_space<hbm>>
          %dma_wait3A_595 = arith.constant 0 : i32
          %dma_wait3A_596 = arith.constant 0 : i32
          %dma_wait3A_597 = arith.constant 0 : i32
          %dma_wait3A_598 = tpu.memref_slice %dma_wait3A_594[%mul3A_32, %dma_wait3A_595, %dma_wait3A_596, %dma_wait3A_597] : memref<8x8x8x128xf32, #tpu.memory_space<hbm>> -> memref<1x8x8x128xf32, #tpu.memory_space<hbm>>
          %dma_wait3A_599 = tpu.memref_squeeze %dma_wait3A_598 : memref<1x8x8x128xf32, #tpu.memory_space<hbm>> -> memref<8x8x128xf32, #tpu.memory_space<hbm>>
          %dma_wait3A_600 = arith.constant 0 : i32
          %dma_wait3A_601 = arith.constant 0 : i32
          %dma_wait3A_602 = arith.constant 0 : i32
          %dma_wait3A_603 = tpu.memref_slice %dma_wait3A_599[%dma_wait3A_600, %dma_wait3A_601, %dma_wait3A_602] : memref<8x8x128xf32, #tpu.memory_space<hbm>> -> memref<8x4x128xf32, #tpu.memory_space<hbm>>
          %dma_wait3A_604 = arith.constant 0 : i32
          %dma_wait3A_605 = arith.constant 0 : i32
          %dma_wait3A_606 = arith.constant 0 : i32
          %dma_wait3A_607 = tpu.memref_slice %arg7[%dma_wait3A_553, %dma_wait3A_604, %dma_wait3A_605, %dma_wait3A_606] : memref<2x8x4x128xf32, #tpu.memory_space<vmem>> -> memref<1x8x4x128xf32, #tpu.memory_space<vmem>>
          %dma_wait3A_608 = tpu.memref_squeeze %dma_wait3A_607 : memref<1x8x4x128xf32, #tpu.memory_space<vmem>> -> memref<8x4x128xf32, #tpu.memory_space<vmem>>
          tpu.wait_dma2 semaphore(%arg9 : memref<!tpu.dma_semaphore, #tpu.memory_space<semaphore_mem>>) src(%dma_wait3A_608 : memref<8x4x128xf32, #tpu.memory_space<vmem>>) dst(%dma_wait3A_603 : memref<8x4x128xf32, #tpu.memory_space<hbm>>)
        } else {
        }
        %parallel_loop3A_497 = arith.constant 0 : i32
        %parallel_loop3A_498 = arith.constant 64 : i32
        %parallel_loop3A_499 = arith.constant 1 : i32
        scf.for %parallel_loop3A_553 = %parallel_loop3A_497 to %parallel_loop3A_498 step %parallel_loop3A_499  : i32 {
          %parallel_loop3A_554 = arith.constant 16 : i32
          %parallel_loop3A_555 = arith.muli %parallel_loop3A_553, %parallel_loop3A_554 : i32
          %parallel_loop3A_556 = arith.index_cast %add3A_488 : i32 to index
          %parallel_loop3A_557 = arith.index_cast %parallel_loop3A_555 : i32 to index
          %parallel_loop3A_558 = tpu.vector_load %arg5[%parallel_loop3A_556, %parallel_loop3A_557] {strides = array<i32>} : memref<32x1024xi32, #tpu.memory_space<vmem>>, vector<16xi32>,
          %parallel_loop3A_559 = arith.constant 7 : i32
          %parallel_loop3A_560 = vector.broadcast %parallel_loop3A_559 : i32 to vector<16xi32>
          %parallel_loop3A_561 = arith.shrsi %parallel_loop3A_558, %parallel_loop3A_560 : vector<16xi32>
          %parallel_loop3A_562 = arith.constant 127 : i32
          %parallel_loop3A_563 = vector.broadcast %parallel_loop3A_562 : i32 to vector<16xi32>
          %parallel_loop3A_564 = arith.andi %parallel_loop3A_558, %parallel_loop3A_563 : vector<16xi32>
          %parallel_loop3A_565 = arith.constant 8 : i32
          %parallel_loop3A_566 = arith.divsi %parallel_loop3A_553, %parallel_loop3A_565 : i32
          %parallel_loop3A_567 = arith.constant 0 : i32
          %parallel_loop3A_568 = arith.cmpi sgt, %parallel_loop3A_553, %parallel_loop3A_567 : i32
          %parallel_loop3A_569 = arith.extui %parallel_loop3A_568 : i1 to i32
          %parallel_loop3A_570 = arith.constant 0 : i32
          %parallel_loop3A_571 = arith.cmpi slt, %parallel_loop3A_553, %parallel_loop3A_570 : i32
          %parallel_loop3A_572 = arith.extui %parallel_loop3A_571 : i1 to i32
          %parallel_loop3A_573 = arith.subi %parallel_loop3A_569, %parallel_loop3A_572 : i32
          %parallel_loop3A_574 = arith.constant 0 : i32
          %parallel_loop3A_575 = arith.cmpi sgt, %parallel_loop3A_565, %parallel_loop3A_574 : i32
          %parallel_loop3A_576 = arith.extui %parallel_loop3A_575 : i1 to i32
          %parallel_loop3A_577 = arith.constant 0 : i32
          %parallel_loop3A_578 = arith.cmpi slt, %parallel_loop3A_565, %parallel_loop3A_577 : i32
          %parallel_loop3A_579 = arith.extui %parallel_loop3A_578 : i1 to i32
          %parallel_loop3A_580 = arith.subi %parallel_loop3A_576, %parallel_loop3A_579 : i32
          %parallel_loop3A_581 = arith.cmpi ne, %parallel_loop3A_573, %parallel_loop3A_580 : i32
          %parallel_loop3A_582 = arith.remsi %parallel_loop3A_553, %parallel_loop3A_565 : i32
          %parallel_loop3A_583 = arith.constant 0 : i32
          %parallel_loop3A_584 = arith.cmpi ne, %parallel_loop3A_582, %parallel_loop3A_583 : i32
          %parallel_loop3A_585 = arith.andi %parallel_loop3A_581, %parallel_loop3A_584 : i1
          %parallel_loop3A_586 = arith.constant 1 : i32
          %parallel_loop3A_587 = arith.subi %parallel_loop3A_566, %parallel_loop3A_586 : i32
          %parallel_loop3A_588 = arith.select %parallel_loop3A_585, %parallel_loop3A_587, %parallel_loop3A_566 : i32
          %parallel_loop3A_589 = arith.constant 8 : i32
          %parallel_loop3A_590 = arith.constant 0 : i32
          %parallel_loop3A_591 = arith.cmpi eq, %parallel_loop3A_589, %parallel_loop3A_590 : i32
          %parallel_loop3A_592 = arith.constant 1 : i32
          %parallel_loop3A_593 = arith.select %parallel_loop3A_591, %parallel_loop3A_592, %parallel_loop3A_589 : i32
          %parallel_loop3A_594 = arith.remsi %parallel_loop3A_553, %parallel_loop3A_593 : i32
          %parallel_loop3A_595 = arith.constant 0 : i32
          %parallel_loop3A_596 = arith.cmpi ne, %parallel_loop3A_594, %parallel_loop3A_595 : i32
          %parallel_loop3A_597 = arith.constant 0 : i32
          %parallel_loop3A_598 = arith.cmpi slt, %parallel_loop3A_594, %parallel_loop3A_597 : i32
          %parallel_loop3A_599 = arith.constant 0 : i32
          %parallel_loop3A_600 = arith.cmpi slt, %parallel_loop3A_593, %parallel_loop3A_599 : i32
          %parallel_loop3A_601 = arith.xori %parallel_loop3A_598, %parallel_loop3A_600 : i1
          %parallel_loop3A_602 = arith.andi %parallel_loop3A_601, %parallel_loop3A_596 : i1
          %parallel_loop3A_603 = arith.addi %parallel_loop3A_594, %parallel_loop3A_593 : i32
          %parallel_loop3A_604 = arith.select %parallel_loop3A_602, %parallel_loop3A_603, %parallel_loop3A_594 : i32
          %parallel_loop3A_605 = arith.constant 0 : i32
          %parallel_loop3A_606 = vector.broadcast %parallel_loop3A_605 : i32 to vector<16xi32>
          %parallel_loop3A_607 = arith.addi %parallel_loop3A_606, %parallel_loop3A_561 : vector<16xi32>
          %parallel_loop3A_608 = tpu.vector_load_idx %arg6[%parallel_loop3A_607, %parallel_loop3A_564] : memref<512x128xf32, #tpu.memory_space<vmem>>[vector<16xi32>, vector<16xi32>], vector<16xf32>,
          %parallel_loop3A_609 = arith.constant 16 : i32
          %parallel_loop3A_610 = arith.muli %parallel_loop3A_604, %parallel_loop3A_609 : i32
          %parallel_loop3A_611 = arith.constant 1 : i32
          %parallel_loop3A_612 = arith.constant 0 : i32
          %parallel_loop3A_613 = arith.index_cast %parallel_loop3A_611 : i32 to index
          %parallel_loop3A_614 = arith.index_cast %parallel_loop3A_588 : i32 to index
          %parallel_loop3A_615 = arith.index_cast %parallel_loop3A_612 : i32 to index
          %parallel_loop3A_616 = arith.index_cast %parallel_loop3A_610 : i32 to index
          %parallel_loop3A_617 = tpu.vector_load %arg7[%parallel_loop3A_613, %parallel_loop3A_614, %parallel_loop3A_615, %parallel_loop3A_616] {strides = array<i32>} : memref<2x8x4x128xf32, #tpu.memory_space<vmem>>, vector<16xf32>,
          tpu.vector_store %arg7[%parallel_loop3A_613, %parallel_loop3A_614, %parallel_loop3A_615, %parallel_loop3A_616], %parallel_loop3A_608 {strides = array<i32>} : memref<2x8x4x128xf32, #tpu.memory_space<vmem>>, vector<16xf32>,
          %parallel_loop3A_618 = arith.constant 128 : i32
          %parallel_loop3A_619 = vector.broadcast %parallel_loop3A_618 : i32 to vector<16xi32>
          %parallel_loop3A_620 = arith.addi %parallel_loop3A_619, %parallel_loop3A_561 : vector<16xi32>
          %parallel_loop3A_621 = tpu.vector_load_idx %arg6[%parallel_loop3A_620, %parallel_loop3A_564] : memref<512x128xf32, #tpu.memory_space<vmem>>[vector<16xi32>, vector<16xi32>], vector<16xf32>,
          %parallel_loop3A_622 = arith.constant 16 : i32
          %parallel_loop3A_623 = arith.muli %parallel_loop3A_604, %parallel_loop3A_622 : i32
          %parallel_loop3A_624 = arith.constant 1 : i32
          %parallel_loop3A_625 = arith.constant 1 : i32
          %parallel_loop3A_626 = arith.index_cast %parallel_loop3A_624 : i32 to index
          %parallel_loop3A_627 = arith.index_cast %parallel_loop3A_588 : i32 to index
          %parallel_loop3A_628 = arith.index_cast %parallel_loop3A_625 : i32 to index
          %parallel_loop3A_629 = arith.index_cast %parallel_loop3A_623 : i32 to index
          %parallel_loop3A_630 = tpu.vector_load %arg7[%parallel_loop3A_626, %parallel_loop3A_627, %parallel_loop3A_628, %parallel_loop3A_629] {strides = array<i32>} : memref<2x8x4x128xf32, #tpu.memory_space<vmem>>, vector<16xf32>,
          tpu.vector_store %arg7[%parallel_loop3A_626, %parallel_loop3A_627, %parallel_loop3A_628, %parallel_loop3A_629], %parallel_loop3A_621 {strides = array<i32>} : memref<2x8x4x128xf32, #tpu.memory_space<vmem>>, vector<16xf32>,
          %parallel_loop3A_631 = arith.constant 256 : i32
          %parallel_loop3A_632 = vector.broadcast %parallel_loop3A_631 : i32 to vector<16xi32>
          %parallel_loop3A_633 = arith.addi %parallel_loop3A_632, %parallel_loop3A_561 : vector<16xi32>
          %parallel_loop3A_634 = tpu.vector_load_idx %arg6[%parallel_loop3A_633, %parallel_loop3A_564] : memref<512x128xf32, #tpu.memory_space<vmem>>[vector<16xi32>, vector<16xi32>], vector<16xf32>,
          %parallel_loop3A_635 = arith.constant 16 : i32
          %parallel_loop3A_636 = arith.muli %parallel_loop3A_604, %parallel_loop3A_635 : i32
          %parallel_loop3A_637 = arith.constant 1 : i32
          %parallel_loop3A_638 = arith.constant 2 : i32
          %parallel_loop3A_639 = arith.index_cast %parallel_loop3A_637 : i32 to index
          %parallel_loop3A_640 = arith.index_cast %parallel_loop3A_588 : i32 to index
          %parallel_loop3A_641 = arith.index_cast %parallel_loop3A_638 : i32 to index
          %parallel_loop3A_642 = arith.index_cast %parallel_loop3A_636 : i32 to index
          %parallel_loop3A_643 = tpu.vector_load %arg7[%parallel_loop3A_639, %parallel_loop3A_640, %parallel_loop3A_641, %parallel_loop3A_642] {strides = array<i32>} : memref<2x8x4x128xf32, #tpu.memory_space<vmem>>, vector<16xf32>,
          tpu.vector_store %arg7[%parallel_loop3A_639, %parallel_loop3A_640, %parallel_loop3A_641, %parallel_loop3A_642], %parallel_loop3A_634 {strides = array<i32>} : memref<2x8x4x128xf32, #tpu.memory_space<vmem>>, vector<16xf32>,
          %parallel_loop3A_644 = arith.constant 384 : i32
          %parallel_loop3A_645 = vector.broadcast %parallel_loop3A_644 : i32 to vector<16xi32>
          %parallel_loop3A_646 = arith.addi %parallel_loop3A_645, %parallel_loop3A_561 : vector<16xi32>
          %parallel_loop3A_647 = tpu.vector_load_idx %arg6[%parallel_loop3A_646, %parallel_loop3A_564] : memref<512x128xf32, #tpu.memory_space<vmem>>[vector<16xi32>, vector<16xi32>], vector<16xf32>,
          %parallel_loop3A_648 = arith.constant 16 : i32
          %parallel_loop3A_649 = arith.muli %parallel_loop3A_604, %parallel_loop3A_648 : i32
          %parallel_loop3A_650 = arith.constant 1 : i32
          %parallel_loop3A_651 = arith.constant 3 : i32
          %parallel_loop3A_652 = arith.index_cast %parallel_loop3A_650 : i32 to index
          %parallel_loop3A_653 = arith.index_cast %parallel_loop3A_588 : i32 to index
          %parallel_loop3A_654 = arith.index_cast %parallel_loop3A_651 : i32 to index
          %parallel_loop3A_655 = arith.index_cast %parallel_loop3A_649 : i32 to index
          %parallel_loop3A_656 = tpu.vector_load %arg7[%parallel_loop3A_652, %parallel_loop3A_653, %parallel_loop3A_654, %parallel_loop3A_655] {strides = array<i32>} : memref<2x8x4x128xf32, #tpu.memory_space<vmem>>, vector<16xf32>,
          tpu.vector_store %arg7[%parallel_loop3A_652, %parallel_loop3A_653, %parallel_loop3A_654, %parallel_loop3A_655], %parallel_loop3A_647 {strides = array<i32>} : memref<2x8x4x128xf32, #tpu.memory_space<vmem>>, vector<16xf32>,
        } {sc.loop_unroll_factor = 4 : i64, sc.parallel_access}
        %dma_start3A_500 = arith.constant 1 : i32
        %dma_start3A_501 = arith.constant 0 : i32
        %dma_start3A_502 = arith.constant 0 : i32
        %dma_start3A_503 = arith.constant 0 : i32
        %dma_start3A_504 = tpu.memref_slice %arg7[%dma_start3A_500, %dma_start3A_501, %dma_start3A_502, %dma_start3A_503] : memref<2x8x4x128xf32, #tpu.memory_space<vmem>> -> memref<1x8x4x128xf32, #tpu.memory_space<vmem>>
        %dma_start3A_505 = tpu.memref_squeeze %dma_start3A_504 : memref<1x8x4x128xf32, #tpu.memory_space<vmem>> -> memref<8x4x128xf32, #tpu.memory_space<vmem>>
        %dma_start3A_506 = arith.constant 0 : i32
        %dma_start3A_507 = arith.constant 0 : i32
        %dma_start3A_508 = arith.constant 0 : i32
        %dma_start3A_509 = arith.constant 0 : i32
        %dma_start3A_510 = arith.constant 0 : i32
        %dma_start3A_511 = tpu.memref_slice %arg4[%select_n3A, %dma_start3A_506, %dma_start3A_507, %dma_start3A_508, %dma_start3A_509, %dma_start3A_510] : memref<8x32x8x8x8x128xf32, #tpu.memory_space<hbm>> -> memref<1x32x8x8x8x128xf32, #tpu.memory_space<hbm>>
        %dma_start3A_512 = tpu.memref_squeeze %dma_start3A_511 : memref<1x32x8x8x8x128xf32, #tpu.memory_space<hbm>> -> memref<32x8x8x8x128xf32, #tpu.memory_space<hbm>>
        %dma_start3A_513 = arith.constant 0 : i32
        %dma_start3A_514 = arith.constant 0 : i32
        %dma_start3A_515 = arith.constant 0 : i32
        %dma_start3A_516 = arith.constant 0 : i32
        %dma_start3A_517 = tpu.memref_slice %dma_start3A_512[%add3A_488, %dma_start3A_513, %dma_start3A_514, %dma_start3A_515, %dma_start3A_516] : memref<32x8x8x8x128xf32, #tpu.memory_space<hbm>> -> memref<1x8x8x8x128xf32, #tpu.memory_space<hbm>>
        %dma_start3A_518 = tpu.memref_squeeze %dma_start3A_517 : memref<1x8x8x8x128xf32, #tpu.memory_space<hbm>> -> memref<8x8x8x128xf32, #tpu.memory_space<hbm>>
        %dma_start3A_519 = arith.constant 0 : i32
        %dma_start3A_520 = arith.constant 0 : i32
        %dma_start3A_521 = arith.constant 0 : i32
        %dma_start3A_522 = tpu.memref_slice %dma_start3A_518[%add3A_181, %dma_start3A_519, %dma_start3A_520, %dma_start3A_521] : memref<8x8x8x128xf32, #tpu.memory_space<hbm>> -> memref<1x8x8x128xf32, #tpu.memory_space<hbm>>
        %dma_start3A_523 = tpu.memref_squeeze %dma_start3A_522 : memref<1x8x8x128xf32, #tpu.memory_space<hbm>> -> memref<8x8x128xf32, #tpu.memory_space<hbm>>
        %dma_start3A_524 = arith.constant 0 : i32
        %dma_start3A_525 = arith.constant 0 : i32
        %dma_start3A_526 = tpu.memref_slice %dma_start3A_523[%dma_start3A_524, %mul3A_199, %dma_start3A_525] : memref<8x8x128xf32, #tpu.memory_space<hbm>> -> memref<8x4x128xf32, #tpu.memory_space<hbm>>
        %dma_start3A_527 = arith.constant 0 : i32
        %dma_start3A_528 = arith.constant 0 : i32
        %dma_start3A_529 = arith.constant 0 : i32
        %dma_start3A_530 = arith.constant 0 : i32
        %dma_start3A_531 = arith.constant 0 : i32
        %dma_start3A_532 = tpu.memref_slice %arg4[%select_n3A, %dma_start3A_527, %dma_start3A_528, %dma_start3A_529, %dma_start3A_530, %dma_start3A_531] : memref<8x32x8x8x8x128xf32, #tpu.memory_space<hbm>> -> memref<1x32x8x8x8x128xf32, #tpu.memory_space<hbm>>
        %dma_start3A_533 = tpu.memref_squeeze %dma_start3A_532 : memref<1x32x8x8x8x128xf32, #tpu.memory_space<hbm>> -> memref<32x8x8x8x128xf32, #tpu.memory_space<hbm>>
        %dma_start3A_534 = arith.constant 0 : i32
        %dma_start3A_535 = arith.constant 0 : i32
        %dma_start3A_536 = arith.constant 0 : i32
        %dma_start3A_537 = arith.constant 0 : i32
        %dma_start3A_538 = tpu.memref_slice %dma_start3A_533[%add3A_488, %dma_start3A_534, %dma_start3A_535, %dma_start3A_536, %dma_start3A_537] : memref<32x8x8x8x128xf32, #tpu.memory_space<hbm>> -> memref<1x8x8x8x128xf32, #tpu.memory_space<hbm>>
        %dma_start3A_539 = tpu.memref_squeeze %dma_start3A_538 : memref<1x8x8x8x128xf32, #tpu.memory_space<hbm>> -> memref<8x8x8x128xf32, #tpu.memory_space<hbm>>
        %dma_start3A_540 = arith.constant 0 : i32
        %dma_start3A_541 = arith.constant 0 : i32
        %dma_start3A_542 = arith.constant 0 : i32
        %dma_start3A_543 = tpu.memref_slice %dma_start3A_539[%add3A_181, %dma_start3A_540, %dma_start3A_541, %dma_start3A_542] : memref<8x8x8x128xf32, #tpu.memory_space<hbm>> -> memref<1x8x8x128xf32, #tpu.memory_space<hbm>>
        %dma_start3A_544 = tpu.memref_squeeze %dma_start3A_543 : memref<1x8x8x128xf32, #tpu.memory_space<hbm>> -> memref<8x8x128xf32, #tpu.memory_space<hbm>>
        %dma_start3A_545 = arith.constant 0 : i32
        %dma_start3A_546 = arith.constant 0 : i32
        %dma_start3A_547 = tpu.memref_slice %dma_start3A_544[%dma_start3A_545, %mul3A_199, %dma_start3A_546] : memref<8x8x128xf32, #tpu.memory_space<hbm>> -> memref<8x4x128xf32, #tpu.memory_space<hbm>>
        %dma_start3A_548 = arith.constant 0 : i32
        %dma_start3A_549 = arith.constant 0 : i32
        %dma_start3A_550 = arith.constant 0 : i32
        %dma_start3A_551 = tpu.memref_slice %arg7[%dma_start3A_500, %dma_start3A_548, %dma_start3A_549, %dma_start3A_550] : memref<2x8x4x128xf32, #tpu.memory_space<vmem>> -> memref<1x8x4x128xf32, #tpu.memory_space<vmem>>
        %dma_start3A_552 = tpu.memref_squeeze %dma_start3A_551 : memref<1x8x4x128xf32, #tpu.memory_space<vmem>> -> memref<8x4x128xf32, #tpu.memory_space<vmem>>
        tpu.enqueue_dma source(%dma_start3A_552 : memref<8x4x128xf32, #tpu.memory_space<vmem>>) target(%dma_start3A_547 : memref<8x4x128xf32, #tpu.memory_space<hbm>>) target_semaphore(%arg9 : memref<!tpu.dma_semaphore, #tpu.memory_space<semaphore_mem>>)
      }
      %scan3A_419 = arith.constant 16 : i32
    }
    %scan3A_44 = arith.constant 4 : i32
    %dma_wait3A = arith.constant 0 : i32
    %dma_wait3A_45 = arith.constant 0 : i32
    %dma_wait3A_46 = arith.constant 0 : i32
    %dma_wait3A_47 = arith.constant 0 : i32
    %dma_wait3A_48 = arith.constant 0 : i32
    %dma_wait3A_49 = tpu.memref_slice %arg7[%dma_wait3A, %dma_wait3A_46, %dma_wait3A_47, %dma_wait3A_48] : memref<2x8x4x128xf32, #tpu.memory_space<vmem>> -> memref<1x8x4x128xf32, #tpu.memory_space<vmem>>
    %dma_wait3A_50 = tpu.memref_squeeze %dma_wait3A_49 : memref<1x8x4x128xf32, #tpu.memory_space<vmem>> -> memref<8x4x128xf32, #tpu.memory_space<vmem>>
    %dma_wait3A_51 = arith.constant 0 : i32
    %dma_wait3A_52 = arith.constant 0 : i32
    %dma_wait3A_53 = arith.constant 0 : i32
    %dma_wait3A_54 = arith.constant 0 : i32
    %dma_wait3A_55 = arith.constant 0 : i32
    %dma_wait3A_56 = tpu.memref_slice %arg4[%select_n3A, %dma_wait3A_51, %dma_wait3A_52, %dma_wait3A_53, %dma_wait3A_54, %dma_wait3A_55] : memref<8x32x8x8x8x128xf32, #tpu.memory_space<hbm>> -> memref<1x32x8x8x8x128xf32, #tpu.memory_space<hbm>>
    %dma_wait3A_57 = tpu.memref_squeeze %dma_wait3A_56 : memref<1x32x8x8x8x128xf32, #tpu.memory_space<hbm>> -> memref<32x8x8x8x128xf32, #tpu.memory_space<hbm>>
    %dma_wait3A_58 = arith.constant 0 : i32
    %dma_wait3A_59 = arith.constant 0 : i32
    %dma_wait3A_60 = arith.constant 0 : i32
    %dma_wait3A_61 = arith.constant 0 : i32
    %dma_wait3A_62 = tpu.memref_slice %dma_wait3A_57[%dma_wait3A_45, %dma_wait3A_58, %dma_wait3A_59, %dma_wait3A_60, %dma_wait3A_61] : memref<32x8x8x8x128xf32, #tpu.memory_space<hbm>> -> memref<1x8x8x8x128xf32, #tpu.memory_space<hbm>>
    %dma_wait3A_63 = tpu.memref_squeeze %dma_wait3A_62 : memref<1x8x8x8x128xf32, #tpu.memory_space<hbm>> -> memref<8x8x8x128xf32, #tpu.memory_space<hbm>>
    %dma_wait3A_64 = arith.constant 0 : i32
    %dma_wait3A_65 = arith.constant 0 : i32
    %dma_wait3A_66 = arith.constant 0 : i32
    %dma_wait3A_67 = tpu.memref_slice %dma_wait3A_63[%mul3A_32, %dma_wait3A_64, %dma_wait3A_65, %dma_wait3A_66] : memref<8x8x8x128xf32, #tpu.memory_space<hbm>> -> memref<1x8x8x128xf32, #tpu.memory_space<hbm>>
    %dma_wait3A_68 = tpu.memref_squeeze %dma_wait3A_67 : memref<1x8x8x128xf32, #tpu.memory_space<hbm>> -> memref<8x8x128xf32, #tpu.memory_space<hbm>>
    %dma_wait3A_69 = arith.constant 0 : i32
    %dma_wait3A_70 = arith.constant 0 : i32
    %dma_wait3A_71 = arith.constant 0 : i32
    %dma_wait3A_72 = tpu.memref_slice %dma_wait3A_68[%dma_wait3A_69, %dma_wait3A_70, %dma_wait3A_71] : memref<8x8x128xf32, #tpu.memory_space<hbm>> -> memref<8x4x128xf32, #tpu.memory_space<hbm>>
    %dma_wait3A_73 = arith.constant 0 : i32
    %dma_wait3A_74 = arith.constant 0 : i32
    %dma_wait3A_75 = arith.constant 0 : i32
    %dma_wait3A_76 = arith.constant 0 : i32
    %dma_wait3A_77 = arith.constant 0 : i32
    %dma_wait3A_78 = tpu.memref_slice %arg4[%select_n3A, %dma_wait3A_73, %dma_wait3A_74, %dma_wait3A_75, %dma_wait3A_76, %dma_wait3A_77] : memref<8x32x8x8x8x128xf32, #tpu.memory_space<hbm>> -> memref<1x32x8x8x8x128xf32, #tpu.memory_space<hbm>>
    %dma_wait3A_79 = tpu.memref_squeeze %dma_wait3A_78 : memref<1x32x8x8x8x128xf32, #tpu.memory_space<hbm>> -> memref<32x8x8x8x128xf32, #tpu.memory_space<hbm>>
    %dma_wait3A_80 = arith.constant 0 : i32
    %dma_wait3A_81 = arith.constant 0 : i32
    %dma_wait3A_82 = arith.constant 0 : i32
    %dma_wait3A_83 = arith.constant 0 : i32
    %dma_wait3A_84 = tpu.memref_slice %dma_wait3A_79[%dma_wait3A_45, %dma_wait3A_80, %dma_wait3A_81, %dma_wait3A_82, %dma_wait3A_83] : memref<32x8x8x8x128xf32, #tpu.memory_space<hbm>> -> memref<1x8x8x8x128xf32, #tpu.memory_space<hbm>>
    %dma_wait3A_85 = tpu.memref_squeeze %dma_wait3A_84 : memref<1x8x8x8x128xf32, #tpu.memory_space<hbm>> -> memref<8x8x8x128xf32, #tpu.memory_space<hbm>>
    %dma_wait3A_86 = arith.constant 0 : i32
    %dma_wait3A_87 = arith.constant 0 : i32
    %dma_wait3A_88 = arith.constant 0 : i32
    %dma_wait3A_89 = tpu.memref_slice %dma_wait3A_85[%mul3A_32, %dma_wait3A_86, %dma_wait3A_87, %dma_wait3A_88] : memref<8x8x8x128xf32, #tpu.memory_space<hbm>> -> memref<1x8x8x128xf32, #tpu.memory_space<hbm>>
    %dma_wait3A_90 = tpu.memref_squeeze %dma_wait3A_89 : memref<1x8x8x128xf32, #tpu.memory_space<hbm>> -> memref<8x8x128xf32, #tpu.memory_space<hbm>>
    %dma_wait3A_91 = arith.constant 0 : i32
    %dma_wait3A_92 = arith.constant 0 : i32
    %dma_wait3A_93 = arith.constant 0 : i32
    %dma_wait3A_94 = tpu.memref_slice %dma_wait3A_90[%dma_wait3A_91, %dma_wait3A_92, %dma_wait3A_93] : memref<8x8x128xf32, #tpu.memory_space<hbm>> -> memref<8x4x128xf32, #tpu.memory_space<hbm>>
    %dma_wait3A_95 = arith.constant 0 : i32
    %dma_wait3A_96 = arith.constant 0 : i32
    %dma_wait3A_97 = arith.constant 0 : i32
    %dma_wait3A_98 = tpu.memref_slice %arg7[%dma_wait3A, %dma_wait3A_95, %dma_wait3A_96, %dma_wait3A_97] : memref<2x8x4x128xf32, #tpu.memory_space<vmem>> -> memref<1x8x4x128xf32, #tpu.memory_space<vmem>>
    %dma_wait3A_99 = tpu.memref_squeeze %dma_wait3A_98 : memref<1x8x4x128xf32, #tpu.memory_space<vmem>> -> memref<8x4x128xf32, #tpu.memory_space<vmem>>
    tpu.wait_dma2 semaphore(%arg8 : memref<!tpu.dma_semaphore, #tpu.memory_space<semaphore_mem>>) src(%dma_wait3A_99 : memref<8x4x128xf32, #tpu.memory_space<vmem>>) dst(%dma_wait3A_94 : memref<8x4x128xf32, #tpu.memory_space<hbm>>)
    %dma_wait3A_100 = arith.constant 1 : i32
    %dma_wait3A_101 = arith.constant 0 : i32
    %dma_wait3A_102 = arith.constant 0 : i32
    %dma_wait3A_103 = arith.constant 0 : i32
    %dma_wait3A_104 = arith.constant 0 : i32
    %dma_wait3A_105 = tpu.memref_slice %arg7[%dma_wait3A_100, %dma_wait3A_102, %dma_wait3A_103, %dma_wait3A_104] : memref<2x8x4x128xf32, #tpu.memory_space<vmem>> -> memref<1x8x4x128xf32, #tpu.memory_space<vmem>>
    %dma_wait3A_106 = tpu.memref_squeeze %dma_wait3A_105 : memref<1x8x4x128xf32, #tpu.memory_space<vmem>> -> memref<8x4x128xf32, #tpu.memory_space<vmem>>
    %dma_wait3A_107 = arith.constant 0 : i32
    %dma_wait3A_108 = arith.constant 0 : i32
    %dma_wait3A_109 = arith.constant 0 : i32
    %dma_wait3A_110 = arith.constant 0 : i32
    %dma_wait3A_111 = arith.constant 0 : i32
    %dma_wait3A_112 = tpu.memref_slice %arg4[%select_n3A, %dma_wait3A_107, %dma_wait3A_108, %dma_wait3A_109, %dma_wait3A_110, %dma_wait3A_111] : memref<8x32x8x8x8x128xf32, #tpu.memory_space<hbm>> -> memref<1x32x8x8x8x128xf32, #tpu.memory_space<hbm>>
    %dma_wait3A_113 = tpu.memref_squeeze %dma_wait3A_112 : memref<1x32x8x8x8x128xf32, #tpu.memory_space<hbm>> -> memref<32x8x8x8x128xf32, #tpu.memory_space<hbm>>
    %dma_wait3A_114 = arith.constant 0 : i32
    %dma_wait3A_115 = arith.constant 0 : i32
    %dma_wait3A_116 = arith.constant 0 : i32
    %dma_wait3A_117 = arith.constant 0 : i32
    %dma_wait3A_118 = tpu.memref_slice %dma_wait3A_113[%dma_wait3A_101, %dma_wait3A_114, %dma_wait3A_115, %dma_wait3A_116, %dma_wait3A_117] : memref<32x8x8x8x128xf32, #tpu.memory_space<hbm>> -> memref<1x8x8x8x128xf32, #tpu.memory_space<hbm>>
    %dma_wait3A_119 = tpu.memref_squeeze %dma_wait3A_118 : memref<1x8x8x8x128xf32, #tpu.memory_space<hbm>> -> memref<8x8x8x128xf32, #tpu.memory_space<hbm>>
    %dma_wait3A_120 = arith.constant 0 : i32
    %dma_wait3A_121 = arith.constant 0 : i32
    %dma_wait3A_122 = arith.constant 0 : i32
    %dma_wait3A_123 = tpu.memref_slice %dma_wait3A_119[%mul3A_32, %dma_wait3A_120, %dma_wait3A_121, %dma_wait3A_122] : memref<8x8x8x128xf32, #tpu.memory_space<hbm>> -> memref<1x8x8x128xf32, #tpu.memory_space<hbm>>
    %dma_wait3A_124 = tpu.memref_squeeze %dma_wait3A_123 : memref<1x8x8x128xf32, #tpu.memory_space<hbm>> -> memref<8x8x128xf32, #tpu.memory_space<hbm>>
    %dma_wait3A_125 = arith.constant 0 : i32
    %dma_wait3A_126 = arith.constant 0 : i32
    %dma_wait3A_127 = arith.constant 0 : i32
    %dma_wait3A_128 = tpu.memref_slice %dma_wait3A_124[%dma_wait3A_125, %dma_wait3A_126, %dma_wait3A_127] : memref<8x8x128xf32, #tpu.memory_space<hbm>> -> memref<8x4x128xf32, #tpu.memory_space<hbm>>
    %dma_wait3A_129 = arith.constant 0 : i32
    %dma_wait3A_130 = arith.constant 0 : i32
    %dma_wait3A_131 = arith.constant 0 : i32
    %dma_wait3A_132 = arith.constant 0 : i32
    %dma_wait3A_133 = arith.constant 0 : i32
    %dma_wait3A_134 = tpu.memref_slice %arg4[%select_n3A, %dma_wait3A_129, %dma_wait3A_130, %dma_wait3A_131, %dma_wait3A_132, %dma_wait3A_133] : memref<8x32x8x8x8x128xf32, #tpu.memory_space<hbm>> -> memref<1x32x8x8x8x128xf32, #tpu.memory_space<hbm>>
    %dma_wait3A_135 = tpu.memref_squeeze %dma_wait3A_134 : memref<1x32x8x8x8x128xf32, #tpu.memory_space<hbm>> -> memref<32x8x8x8x128xf32, #tpu.memory_space<hbm>>
    %dma_wait3A_136 = arith.constant 0 : i32
    %dma_wait3A_137 = arith.constant 0 : i32
    %dma_wait3A_138 = arith.constant 0 : i32
    %dma_wait3A_139 = arith.constant 0 : i32
    %dma_wait3A_140 = tpu.memref_slice %dma_wait3A_135[%dma_wait3A_101, %dma_wait3A_136, %dma_wait3A_137, %dma_wait3A_138, %dma_wait3A_139] : memref<32x8x8x8x128xf32, #tpu.memory_space<hbm>> -> memref<1x8x8x8x128xf32, #tpu.memory_space<hbm>>
    %dma_wait3A_141 = tpu.memref_squeeze %dma_wait3A_140 : memref<1x8x8x8x128xf32, #tpu.memory_space<hbm>> -> memref<8x8x8x128xf32, #tpu.memory_space<hbm>>
    %dma_wait3A_142 = arith.constant 0 : i32
    %dma_wait3A_143 = arith.constant 0 : i32
    %dma_wait3A_144 = arith.constant 0 : i32
    %dma_wait3A_145 = tpu.memref_slice %dma_wait3A_141[%mul3A_32, %dma_wait3A_142, %dma_wait3A_143, %dma_wait3A_144] : memref<8x8x8x128xf32, #tpu.memory_space<hbm>> -> memref<1x8x8x128xf32, #tpu.memory_space<hbm>>
    %dma_wait3A_146 = tpu.memref_squeeze %dma_wait3A_145 : memref<1x8x8x128xf32, #tpu.memory_space<hbm>> -> memref<8x8x128xf32, #tpu.memory_space<hbm>>
    %dma_wait3A_147 = arith.constant 0 : i32
    %dma_wait3A_148 = arith.constant 0 : i32
    %dma_wait3A_149 = arith.constant 0 : i32
    %dma_wait3A_150 = tpu.memref_slice %dma_wait3A_146[%dma_wait3A_147, %dma_wait3A_148, %dma_wait3A_149] : memref<8x8x128xf32, #tpu.memory_space<hbm>> -> memref<8x4x128xf32, #tpu.memory_space<hbm>>
    %dma_wait3A_151 = arith.constant 0 : i32
    %dma_wait3A_152 = arith.constant 0 : i32
    %dma_wait3A_153 = arith.constant 0 : i32
    %dma_wait3A_154 = tpu.memref_slice %arg7[%dma_wait3A_100, %dma_wait3A_151, %dma_wait3A_152, %dma_wait3A_153] : memref<2x8x4x128xf32, #tpu.memory_space<vmem>> -> memref<1x8x4x128xf32, #tpu.memory_space<vmem>>
    %dma_wait3A_155 = tpu.memref_squeeze %dma_wait3A_154 : memref<1x8x4x128xf32, #tpu.memory_space<vmem>> -> memref<8x4x128xf32, #tpu.memory_space<vmem>>
    tpu.wait_dma2 semaphore(%arg9 : memref<!tpu.dma_semaphore, #tpu.memory_space<semaphore_mem>>) src(%dma_wait3A_155 : memref<8x4x128xf32, #tpu.memory_space<vmem>>) dst(%dma_wait3A_150 : memref<8x4x128xf32, #tpu.memory_space<hbm>>)
    return
  }
}

</mosaic_0001>

<sc_bundles>
// kernel: kernel.3.cloned.1.call-start
scs
__scs_entry_jumppad:
0x0: {  	(pc) =	sbr.rel $0x88, $3  }
0x1: {  	(tag) =	ssettag $0x0;
	lr =	simm.s32 $0x1  }
0x2: {  	[smem:$0x3F9F] =	sst lr;
	_ =	strace $0xD0000000  }
0x3: {  	_ = 	snop  }
0x4: {  	_ = 	snop  }
0x5: {  	_ = 	snop  }
0x6: {  	_ = 	snop  }
0x7: {  	_ = 	snop  }
__scs_overlays_trampoline_lowered:
0x8: {  	[smem:$0x3FAE] =	sst s0  }
0x9: {  	[smem:$0x3FAF] =	sst s1  }
0xa: {  	[smem:$0x3FB0] =	sst s2  }
0xb: {  	[smem:$0x3FB1] =	sst s3  }
0xc: {  	[smem:$0x3FB2] =	sst s4  }
0xd: {  	[smem:$0x3FB3] =	sst s5  }
0xe: {  	[smem:$0x3FB4] =	sst s6  }
0xf: {  	[smem:$0x3FB5] =	sst s7  }
0x10: {  	[smem:$0x3FB6] =	sst s8  }
0x11: {  	[smem:$0x3FB7] =	sst s9;
	s0 =	simm.s32 @!p0 $0x0  }
0x12: {  	s1 =	sld [smem:$0x3F9D];
	s0 =	simm.s32 @p0 $0x1  }
0x13: {  	[smem:$0x3FB8] =	sst s0;
	s0 =	simm.s32 @!p1 $0x0  }
0x14: {  	s2 =	sld [smem:$0x3F9C];
	s0 =	simm.s32 @p1 $0x1  }
0x15: {  	[smem:$0x3FB9] =	sst s0;
	s0 =	simm.s32 @!p2 $0x0  }
0x16: {  	s3 =	sld [smem:$0x3FDB];
	s0 =	simm.s32 @p2 $0x1  }
0x17: {  	s4 =	simm.s32 $0x1BF5;
	[smem:$0x3FBB] =	sst s0  }
0x18: {  	s0 =	sld [smem:$0x3F9E];
	_ =	swait.ge [sflag:s4], $0x0  }
0x19: {  	s7 =	sld [smem:$0x3F9F]  }
0x1a: {  	s8 =	sadd.s32 $0xFFFFE003, lr  }
0x1b: {  	s9 =	sadd.s32 $0xFFFFFEF7, lr;
	s5 =	simm.s32 $0xFFFFFFFF;
	p2 =	slt.u32 s8, $0xFFFFF086  }
0x1c: {  	p1 =	slt.u32 s9, $0xF7A;
	s5 =	simm.s32 @!p2 $0x0  }
0x1d: {  	s5 =	simm.s32 @p1 $0x1;
	p0 =	seq.s32 s7, s2  }
0x1e: {  	s7 =	smul.u32 @!p0 $0xF7A, s2;
	p2 =	seq.s32 @!p0 s5, $0x0  }
0x1f: {  	s9 =	smul.u32 $0xF7A, s1;
	s8 =	simm.s32 @!p0 $0x1BF5;
	p2 =	por !p2, p0  }
0x20: {  	[sflag:s8] =	ssyncset.s32 @!p0 $0xFFFFF086;
	s6 =	sadd.s32 @!p0 s3, s7;
	s7 =	simm.s32 @!p0 $0x108  }
0x21: {  	s3 =	sadd.s32 s3, s9;
	s6 =	sadd.s32 @!p0 $0x88, s6;
	s7 =	simm.s32 @p2 $0x1082  }
0x22: {  	[simem:s7], [sflag:s8] =	dma.local @!p0 [hbm:s6], $0xF7A  }
0x23: {  	s9 =	sor.u32 $0xD0000000, s2;
	s6 =	simm.s32 $0x108;
	_ =	swait.ge @!p0 [sflag:s8], $0x0  }
0x24: {  	s3 =	sadd.s32 $0x88, s3;
	s6 =	simm.s32 @!p1 $0x1082;
	[sflag:s4] =	ssyncset.s32 $0xFFFFF086  }
0x25: {  	[simem:s6], [sflag:s4] =	dma.local [hbm:s3], $0xF7A  }
0x26: {  	[smem:$0x3F9F] =	sst s1;
	(tag) =	ssettag s2;
	_ =	strace s9  }
0x27: {  	s1 =	sld [smem:$0x3FAF]  }
0x28: {  	s2 =	sld [smem:$0x3FB0]  }
0x29: {  	s4 =	sld [smem:$0x3FB2]  }
0x2a: {  	p0 =	seq.s32 s5, $0x0;
	s5 =	sld [smem:$0x3FB3]  }
0x2b: {  	s6 =	sld [smem:$0x3FB4]  }
0x2c: {  	s7 =	sld [smem:$0x3FB5]  }
0x2d: {  	s3 =	simm.s32 $0x108;
	s8 =	sld [smem:$0x3FB6]  }
0x2e: {  	s3 =	simm.s32 @!p0 $0x1082;
	s9 =	sld [smem:$0x3FB7]  }
0x2f: {  	lr =	sadd.s32 s0, s3;
	s0 =	sld [smem:$0x3FAE]  }
0x30: {  	s3 =	sld [smem:$0x3FB1]  }
0x31: {  	[smem:$0x3FBA] =	sst s10  }
0x32: {  	s10 =	sld [smem:$0x3FB8];
	_ =	sdelay $0x3  }
0x33: {  	p0 =	seq.s32 s10, $0x1;
	s10 =	sld [smem:$0x3FBA];
	_ =	sdelay $0x3  }
0x34: {  	[smem:$0x3FBA] =	sst s10  }
0x35: {  	s10 =	sld [smem:$0x3FB9];
	_ =	sdelay $0x3  }
0x36: {  	p1 =	seq.s32 s10, $0x1;
	s10 =	sld [smem:$0x3FBA];
	_ =	sdelay $0x3  }
0x37: {  	[smem:$0x3FBA] =	sst s10  }
0x38: {  	s10 =	sld [smem:$0x3FBB]  }
0x39: {  	_ = 	snop;
	(pc) =	sbr.ind lr, $3  }
0x3a: {  	_ = 	snop  }
0x3b: {  	_ = 	snop  }
0x3c: {  	p2 =	seq.s32 s10, $0x1;
	s10 =	sld [smem:$0x3FBA]  }
0x3d: {  	_ =	shalt  }
0x3e: {  	_ =	shalt  }
0x3f: {  	_ =	shalt  }
0x40: {  	_ =	shalt  }
0x41: {  	_ =	shalt  }
0x42: {  	_ =	shalt  }
0x43: {  	_ =	shalt  }
0x44: {  	_ =	shalt  }
0x45: {  	_ =	shalt  }
0x46: {  	_ =	shalt  }
0x47: {  	_ =	shalt  }
0x48: {  	_ =	shalt  }
0x49: {  	_ =	shalt  }
0x4a: {  	_ =	shalt  }
0x4b: {  	_ =	shalt  }
0x4c: {  	_ =	shalt  }
0x4d: {  	_ =	shalt  }
0x4e: {  	_ =	shalt  }
0x4f: {  	_ =	shalt  }
0x50: {  	_ =	shalt  }
0x51: {  	_ =	shalt  }
0x52: {  	_ =	shalt  }
0x53: {  	_ =	shalt  }
0x54: {  	_ =	shalt  }
0x55: {  	_ =	shalt  }
0x56: {  	_ =	shalt  }
0x57: {  	_ =	shalt  }
0x58: {  	_ =	shalt  }
0x59: {  	_ =	shalt  }
0x5a: {  	_ =	shalt  }
0x5b: {  	_ =	shalt  }
0x5c: {  	_ =	shalt  }
0x5d: {  	_ =	shalt  }
0x5e: {  	_ =	shalt  }
0x5f: {  	_ =	shalt  }
0x60: {  	_ =	shalt  }
0x61: {  	_ =	shalt  }
0x62: {  	_ =	shalt  }
0x63: {  	_ =	shalt  }
0x64: {  	_ =	shalt  }
0x65: {  	_ =	shalt  }
0x66: {  	_ =	shalt  }
0x67: {  	_ =	shalt  }
0x68: {  	_ =	shalt  }
0x69: {  	_ =	shalt  }
0x6a: {  	_ =	shalt  }
0x6b: {  	_ =	shalt  }
0x6c: {  	_ =	shalt  }
0x6d: {  	_ =	shalt  }
0x6e: {  	_ =	shalt  }
0x6f: {  	_ =	shalt  }
0x70: {  	_ =	shalt  }
0x71: {  	_ =	shalt  }
0x72: {  	_ =	shalt  }
0x73: {  	_ =	shalt  }
0x74: {  	_ =	shalt  }
0x75: {  	_ =	shalt  }
0x76: {  	_ =	shalt  }
0x77: {  	_ =	shalt  }
0x78: {  	_ =	shalt  }
0x79: {  	_ =	shalt  }
0x7a: {  	_ =	shalt  }
0x7b: {  	_ =	shalt  }
0x7c: {  	_ =	shalt  }
0x7d: {  	_ =	shalt  }
0x7e: {  	_ =	shalt  }
0x7f: {  	_ =	shalt  }
0x80: {  	_ =	shalt  }
0x81: {  	_ =	shalt  }
0x82: {  	_ =	shalt  }
0x83: {  	_ =	shalt  }
0x84: {  	_ =	shalt  }
0x85: {  	_ =	shalt  }
0x86: {  	_ =	shalt  }
0x87: {  	_ =	shalt  }
.Lfunc_end0:
.L_simem_size_0:
called_computation_lowered:
.L_overlay_start_0:
0x88: {  	s2 =	sld [smem:$0x3FD9]  }
0x89: {  	s3 =	sld [smem:$0x3FFE];
	_ =	sdelay $0x1  }
0x8a: {  	s1 =	srdreg.scid  }
0x8b: {  	s0 =	sand.u32 $0x1, s1  }
0x8c: {  	s17 =	sshll.u32 s0, $0xA;
	s2 =	sadd.s32 s3, s2  }
0x8d: {  	s2 =	sadd.s32 s2, s17  }
0x8e: {  	[smem:$0x3FC6] =	sst s2  }
0x8f: {  	_ = 	snop  }
0x90: {  	s2 =	sld [smem:$0x3FC9]  }
0x91: {  	s18 =	sld [smem:$0x3FD0];
	(tm) =	ssettm $0x1  }
0x92: {  	s4 =	sld [smem:$0x3FFB];
	_ =	sdelay $0x3  }
0x93: {  	_ =	strace s4  }
0x94: {  	s4 =	sld [smem:$0x3FFC];
	_ =	sdelay $0x3  }
0x95: {  	_ =	strace s4  }
0x96: {  	s4 =	sld [smem:$0x3FFD];
	_ =	sdelay $0x3  }
0x97: {  	_ =	strace s4  }
0x98: {  	_ =	strace $0x8FFFFFFF  }
0x99: {  	s19 =	sld [smem:$0x3FDB];
	_ =	sdelay $0x1  }
0x9a: {  	s5 =	simm.s32 $_scs_section_size  }
0x9b: {  	s6 =	simm.s32 $_size__tile_overlayer_lowered;
	s7 =	simm.s32 $_tile_overlayer_lowered  }
0x9c: {  	s22 =	simm.s32 $0x1BFF;
	s21 =	sshll.u32 s7, $0x1;
	s4 =	sadd.s32 s5, s19  }
0x9d: {  	s8 =	simm.s32 $0x0;
	s20 =	sshll.u32 s6, $0x1;
	s6 =	sadd.s32 s21, s4  }
0x9e: {  	[timem:s8], [sflag:s22] =	dma.local [hbm:s6], s20  }
0x9f: {  	_ =	swait.ge [sflag:s22], s20  }
0xa0: {  	s5 =	ssub.s32 $0x0, s20;
	[sflag:s22] =	ssyncset.done $0x0  }
0xa1: {  	[sflag:s22] =	ssyncadd.s32 s5;
	_ =	sdelay $0x1  }
0xa2: {  	s23 =	simm.s32 $0x1B8B  }
0xa3: {  	_ =	swait.ge [sflag:s23], $0x1  }
0xa4: {  	[sflag:s23] =	ssyncset.done $0x0  }
0xa5: {  	s25 =	simm.s32 $0x1B8E;
	s24 =	sld [smem:$0x3FFE];
	[sflag:s23] =	ssyncadd.s32 $0xFFFFFFFF  }
0xa6: {  	s26 =	simm.s32 $execute0_lowered;
	[smem:$0x3FD2] =	sst s25  }
0xa7: {  	s6 =	sshll.u32 s26, $0x1;
	_ =	strace $0x80000046;
	[dreg:$0x1] =	wrdreg $0xFFFFFFFF  }
0xa8: {  	s28 =	simm.s32 $_size_execute0_lowered;
	s4 =	sadd.s32 s4, s6;
	[dreg:$0x0] =	wrdreg $0x0  }
0xa9: {  	s6 =	sshll.u32 s28, $0x1;
	[dreg:$0x2] =	wrdreg s4  }
0xaa: {  	[dreg:$0x3] =	wrdreg s6  }
0xab: {  	[dreg:$0x4] =	wrdreg $0xC0  }
0xac: {  	_ =	task [dreg:s8], $0x5FFFF  }
0xad: {  	[dreg:$0x1] =	wrdreg $0xFFFFFFFF  }
0xae: {  	[dreg:$0x0] =	wrdreg $0x60  }
0xaf: {  	[dreg:$0x2] =	wrdreg s2  }
0xb0: {  	[dreg:$0x3] =	wrdreg s24  }
0xb1: {  	[dreg:$0x4] =	wrdreg s18  }
0xb2: {  	[dreg:$0x5] =	wrdreg $0x9  }
0xb3: {  	_ =	task.clear_ibuf [dreg:s8], $0x6FFFF;
	_ =	strace $0x90000046  }
0xb4: {  	s29 =	simm.s32 $0x9;
	_ =	strace $0x80000048  }
0xb5: {  	_ =	swait.ge [sflag:s29], $0x1  }
0xb6: {  	[sflag:s29] =	ssyncadd.s32 $0xFFFFFFFF  }
0xb7: {  	_ =	strace $0x90000048  }
0xb8: {  	_ =	sfence  }
0xb9: {  	s30 =	sld [smem:$0x0];
	_ =	sdelay $0x2  }
0xba: {  	s31 =	sshll.u32 s1, $0xD;
	s1 =	sshrl.u32 s1, $0x2  }
0xbb: {  	s3 =	sand.u32 $0x4000, s31;
	s1 =	sadd.s32 s1, s30  }
0xbc: {  	s0 =	sor.u32 s3, s0;
	s1 =	sshll.u32 s1, $0x11  }
0xbd: {  	s0 =	sor.u32 s1, s0  }
0xbe: {  	s0 =	sadd.s32 $0x8F2B, s0  }
0xbf: {  	[sflag:s0] =	ssyncadd.remote.s32 $0x1  }
0xc0: {  	_ =	sfence.sel $0xFFFF  }
0xc1: {  	[dreg:$0x0] =	wrdreg $0xFFFFFFFF;
	(pc) =	sbr.abs _section_cstart, $3  }
0xc2: {  	[dreg:$0x1] =	wrdreg $0xFFFFFFFF  }
0xc3: {  	_ =	task.clear_ibuf [dreg:s8], $0x2FFFF;
	_ =	strace $0x9FFFFFFF  }
0xc4: {  	(tm) =	ssettm $0x7FFFFFFF  }
0xc5: {  	_ =	shalt  }
tec
execute0_lowered:
.L_overlay_start_1:
0x0: {  	(tag) =	ssettag $0x1  }
0x1: {  	s0 =	rddreg [dreg:$0x0]  }
0x2: {  	s1 =	rddreg [dreg:$0x1]  }
0x3: {  	s2 =	rddreg [dreg:$0x2];
	s3 =	simm.s32 $0x0  }
0x4: {  	s5 =	stileid.u32;
	s26 =	srdreg.scid;
	s9 =	simm.s32 $0x400  }
0x5: {  	s10 =	simm.s32 $0x8000;
	s14 =	simm.s32 $0x3;
	s15 =	simm.s32 $0x200  }
0x6: {  	s16 =	simm.s32 $0x18000;
	s17 =	simm.s32 $0x19000;
	s24 =	simm.s32 $0x0  }
0x7: {  	[smem:$0x7FF] =	sst s3;
	s4 =	sshrl.u32 s5, $0x1;
	s3 =	sand.u32 $0x1, s26  }
0x8: {  	s5 =	sshll.u32 s5, $0x1;
	_ =	strace $0x80000047;
	s6 =	sshll.u32 s4, $0xC  }
0x9: {  	s7 =	ssub.s32 $0x2, s3;
	s5 =	sand.u32 $0x2, s5;
	s29 =	sshll.u32 s4, $0x11  }
0xa: {  	s1 =	sadd.s32 s6, s1;
	s3 =	sor.u32 s3, s5;
	s0 =	sadd.s32 s0, s29  }
0xb: {  	s28 =	sshrl.u32 s7, $0x1;
	s3 =	sshll.u32 s3, $0x1;
	[dreg:$0x6] =	wrdreg s0  }
0xc: {  	s7 =	ssub.s32 s7, s28;
	s1 =	sadd.s32 $0x400, s1;
	[dreg:$0x4] =	wrdreg s3  }
0xd: {  	s30 =	sshll.u32 s4, $0x12;
	[dreg:$0x5] =	wrdreg s1;
	s31 =	smax.u32 s7, $0x1  }
0xe: {  	s6 =	sadd.s32 s2, s30;
	s2 =	simm.s32 $0x0;
	[dreg:$0x7] =	wrdreg s31  }
.LBB2_1:
0xf: {  	[dreg:$0x8] =	wrdreg s2  }
0x10: {  	s0 =	simm.s32 $0x0;
	s1 =	rddreg [dreg:$0x5];
	s21 =	simm.s32 $0x0  }
0x11: {  	[tilespmem:s0], [sflag:$0x3] =	stream.linear.gather [hbm4b:s1+s0], $0x8000, $0x38;
	[tilespmem:$0x1A000] =	vst v63  }
.LBB2_2:
0x12: {  	s0 =	sshrl.u32 s21, $0x1;
	s1 =	rddreg [dreg:$0x4]  }
0x13: {  	s0 =	sadd.s32 s1, s0  }
0x14: {  	s23 =	sshll.u32 s21, $0x6;
	s25 =	rddreg [dreg:$0x6];
	s2 =	sshll.u32 s0, $0xE  }
0x15: {  	s22 =	sand.u32 $0x40, s23;
	s1 =	sadd.s32 s2, s25  }
0x16: {  	s3 =	simm.s32 $0x80;
	s1 =	sadd.s32 s22, s1  }
0x17: {  	[tilespmem:s10], [sflag:$0x3] =	stream.strided.gather [hbm4b:s1+s3], $0x4000, s9, s3, $0x38;
	[tilespmem:$0x1A000] =	vst v63  }
0x18: {  	s4 =	simm.s32 $0xC000;
	s26 =	sadd.s32 $0x10, s1  }
0x19: {  	[tilespmem:s4], [sflag:$0x3] =	stream.strided.gather [hbm4b:s26+s3], $0x4000, s9, s3, $0x38;
	[tilespmem:$0x1A000] =	vst v63  }
0x1a: {  	s30 =	simm.s32 $0x10000;
	s29 =	sadd.s32 $0x20, s1  }
0x1b: {  	[tilespmem:s30], [sflag:$0x3] =	stream.strided.gather [hbm4b:s29+s3], $0x4000, s9, s3, $0x38;
	[tilespmem:$0x1A000] =	vst v63  }
0x1c: {  	s31 =	simm.s32 $0x14000;
	p0 =	sne.s32 s21, $0x0;
	s1 =	sadd.s32 $0x30, s1  }
0x1d: {  	[tilespmem:s31], [sflag:$0x3] =	stream.strided.gather [hbm4b:s1+s3], $0x4000, s9, s3, $0x38;
	[tilespmem:$0x1A000] =	vst v63  }
0x1e: {  	s1 =	simm.s32 @!p0 $0x3  }
0x1f: {  	_ =	swait.ge @!p0 [sflag:s1], $0x8000  }
0x20: {  	[sflag:s1] =	ssyncset.done @!p0 $0x0  }
0x21: {  	[sflag:s1] =	ssyncadd.s32 @!p0 $0xFFFF8000  }
0x22: {  	_ =	swait.ge [sflag:s14], $0x4000  }
0x23: {  	[sflag:s14] =	ssyncset.done $0x0  }
0x24: {  	[sflag:s14] =	ssyncadd.s32 $0xFFFFC000  }
0x25: {  	_ =	swait.ge [sflag:s14], $0x4000  }
0x26: {  	[sflag:s14] =	ssyncset.done $0x0  }
0x27: {  	[sflag:s14] =	ssyncadd.s32 $0xFFFFC000  }
0x28: {  	_ =	swait.ge [sflag:s14], $0x4000  }
0x29: {  	[sflag:s14] =	ssyncset.done $0x0  }
0x2a: {  	[sflag:s14] =	ssyncadd.s32 $0xFFFFC000  }
0x2b: {  	_ =	swait.ge [sflag:s14], $0x4000  }
0x2c: {  	s28 =	simm.s32 $0x0;
	s23 =	sshll.u32 s0, $0xA;
	[sflag:s14] =	ssyncset.done $0x0  }
0x2d: {  	s25 =	simm.s32 $0x400;
	s26 =	simm.s32 $0x0;
	[sflag:s14] =	ssyncadd.s32 $0xFFFFC000  }
.LBB2_3:
0x2e: {  	s0 =	sor.u32 s21, s28  }
0x2f: {  	v0 =	vmov s26;
	p0 =	seq.s32 s0, $0x0  }
0x30: {  	s0 =	simm.s32 @!p0 $0x1  }
0x31: {  	_ =	swait.ge @!p0 [sflag:s0], $0x1000  }
0x32: {  	[sflag:s0] =	ssyncset.done @!p0 $0x0  }
0x33: {  	s19 =	simm.s32 $0x0;
	[sflag:s0] =	ssyncadd.s32 @!p0 $0xFFFFF000  }
0x34: {  	v2 =	vld.idx.msk [tilespmem:v0+s19+$0x30 ss:$0x1], $0xffff  }
0x35: {  	v3 =	vld.idx.msk [tilespmem:v0+s19+$0x0 ss:$0x1], $0xffff  }
0x36: {  	v4 =	vld.idx.msk [tilespmem:v0+s19+$0x10 ss:$0x1], $0xffff  }
0x37: {  	v5 =	vld.idx.msk [tilespmem:v0+s19+$0x20 ss:$0x1], $0xffff;
	_ =	sdelay $0x1  }
0x38: {  	s5 =	simm.s32 $0x40  }
0x39: {  	v14 =	vld.idx.msk [tilespmem:v0+s5+$0x10 ss:$0x1], $0xffff  }
0x3a: {  	v15 =	vld.idx.msk [tilespmem:v0+s5+$0x20 ss:$0x1], $0xffff  }
0x3b: {  	v1 =	vld.idx.msk [tilespmem:v2+s10+$0x0], $0xffff  }
0x3c: {  	v7 =	vadd.s32 $0x4000, v2;
	v6 =	vld.idx.msk [tilespmem:v3+s10+$0x0], $0xffff  }
0x3d: {  	s20 =	simm.s32 $0x30;
	s1 =	sand.u32 $0xE00, s24;
	v8 =	vadd.s32 $0x4000, v3;
	v9 =	vld.idx.msk [tilespmem:v4+s10+$0x0], $0xffff  }
0x3e: {  	s2 =	simm.s32 $0x0;
	s1 =	sor.u32 $0x18000, s1;
	s0 =	sand.u32 $0x70, s20;
	v10 =	vadd.s32 $0x4000, v4;
	v11 =	vld.idx.msk [tilespmem:v5+s10+$0x0], $0xffff  }
0x3f: {  	s7 =	simm.s32 $0x10;
	s2 =	sand.u32 $0x40, s2;
	s4 =	sor.u32 s0, s1;
	v13 =	vld.idx.msk [tilespmem:v0+s5+$0x0 ss:$0x1], $0xffff;
	v12 =	vadd.s32 $0x4000, v5  }
0x40: {  	s3 =	simm.s32 $0x20;
	s7 =	sand.u32 $0x50, s7;
	s0 =	sor.u32 s2, s1;
	[tilespmem:s4+$0x0] =	vst v1;
	v1 =	vld.idx.msk [tilespmem:v0+s5+$0x30 ss:$0x1], $0xffff  }
0x41: {  	s30 =	sor.u32 s7, s1;
	s2 =	sand.u32 $0x60, s3;
	[tilespmem:s0+$0x0] =	vst v6;
	v7 =	vld.idx.msk [tilespmem:v7+s10+$0x0], $0xffff  }
0x42: {  	s31 =	sor.u32 s2, s1;
	[tilespmem:s30+$0x0] =	vst v9;
	v6 =	vld.idx.msk [tilespmem:v8+s10+$0x0], $0xffff;
	v8 =	vadd.s32 $0x8000, v2  }
0x43: {  	[tilespmem:s31+$0x0] =	vst v11;
	v11 =	vadd.s32 $0x8000, v3;
	v9 =	vld.idx.msk [tilespmem:v10+s10+$0x0], $0xffff  }
0x44: {  	v10 =	vld.idx.msk [tilespmem:v12+s10+$0x0], $0xffff;
	v12 =	vadd.s32 $0x8000, v4  }
0x45: {  	v17 =	vld.idx.msk [tilespmem:v14+s10+$0x0], $0xffff  }
0x46: {  	v19 =	vld.idx.msk [tilespmem:v15+s10+$0x0], $0xffff;
	[tilespmem:s4+$0x80] =	vst v7  }
0x47: {  	s7 =	simm.s32 $0x100;
	v7 =	vadd.s32 $0x8000, v5;
	[tilespmem:s0+$0x80] =	vst v6;
	v8 =	vld.idx.msk [tilespmem:v8+s10+$0x0], $0xffff  }
0x48: {  	s12 =	simm.s32 $0x50;
	s1 =	sand.u32 $0xE00, s7;
	v2 =	vadd.s32 $0xC000, v2;
	[tilespmem:s30+$0x80] =	vst v9;
	v6 =	vld.idx.msk [tilespmem:v11+s10+$0x0], $0xffff  }
0x49: {  	s12 =	sand.u32 $0x50, s12;
	s8 =	sor.u32 $0x18000, s1;
	v3 =	vadd.s32 $0xC000, v3;
	v9 =	vld.idx.msk [tilespmem:v12+s10+$0x0], $0xffff  }
0x4a: {  	s20 =	sor.u32 s12, s8;
	v4 =	vadd.s32 $0xC000, v4;
	[tilespmem:s31+$0x80] =	vst v10;
	v10 =	vld.idx.msk [tilespmem:v1+s10+$0x0], $0xffff  }
0x4b: {  	v20 =	vadd.s32 $0x4000, v14;
	[tilespmem:s20+$0x0] =	vst v17;
	v11 =	vld.idx.msk [tilespmem:v13+s10+$0x0], $0xffff  }
0x4c: {  	s2 =	simm.s32 $0x70;
	v12 =	vadd.s32 $0x4000, v1;
	v7 =	vld.idx.msk [tilespmem:v7+s10+$0x0], $0xffff;
	[tilespmem:s4+$0x100] =	vst v8  }
0x4d: {  	s18 =	simm.s32 $0x60;
	s13 =	sand.u32 $0x70, s2;
	v16 =	vadd.s32 $0xC000, v5;
	[tilespmem:s0+$0x100] =	vst v6;
	v2 =	vld.idx.msk [tilespmem:v2+s10+$0x0], $0xffff  }
0x4e: {  	s18 =	sand.u32 $0x60, s18;
	s1 =	sor.u32 s13, s8;
	v18 =	vadd.s32 $0x4000, v13;
	[tilespmem:s30+$0x100] =	vst v9;
	v8 =	vld.idx.msk [tilespmem:v3+s10+$0x0], $0xffff  }
0x4f: {  	s11 =	simm.s32 $0x40;
	s18 =	sor.u32 s18, s8;
	[tilespmem:s1+$0x0] =	vst v10;
	v9 =	vld.idx.msk [tilespmem:v4+s10+$0x0], $0xffff;
	v10 =	vadd.s32 $0x4000, v15  }
0x50: {  	s11 =	sand.u32 $0x40, s11;
	[tilespmem:s18+$0x0] =	vst v19;
	v6 =	vadd.s32 $0x8000, v14;
	v3 =	vadd.s32 $0xC000, v14;
	v14 =	vld.idx.msk [tilespmem:v20+s10+$0x0], $0xffff  }
0x51: {  	s19 =	sor.u32 s11, s8;
	v12 =	vld.idx.msk [tilespmem:v12+s10+$0x0], $0xffff;
	[tilespmem:s31+$0x100] =	vst v7  }
0x52: {  	[tilespmem:s19+$0x0] =	vst v11;
	v4 =	vadd.s32 $0xC000, v15;
	v7 =	vadd.s32 $0x8000, v15;
	v15 =	vadd.s32 $0x8000, v1;
	v11 =	vld.idx.msk [tilespmem:v16+s10+$0x0], $0xffff  }
0x53: {  	s29 =	sshll.u32 s28, $0x1;
	s7 =	simm.s32 $0x200;
	v5 =	vadd.s32 $0x8000, v13;
	[tilespmem:s4+$0x180] =	vst v2;
	v2 =	vadd.s32 $0xC000, v13;
	v13 =	vld.idx.msk [tilespmem:v18+s10+$0x0], $0xffff;
	s4 =	simm.s32 $0x4  }
.LBB2_4:
0x54: {  	s11 =	sshra.s32 s7, $0x2;
	s4 =	sadd.s32 $0x4, s4;
	v10 =	vld.idx.msk [tilespmem:v10+s10+$0x0], $0xffff;
	[tilespmem:s0+$0x180] =	vst v8;
	s0 =	smov.u32 s19  }
0x55: {  	v8 =	vld.idx.msk [tilespmem:v0+s11+$0x30 ss:$0x1], $0xffff;
	p1 =	slt.u32 s4, $0x3C;
	[tilespmem:s30+$0x180] =	vst v9;
	s30 =	smov.u32 s20  }
0x56: {  	v9 =	vld.idx.msk [tilespmem:v0+s11+$0x0 ss:$0x1], $0xffff;
	[tilespmem:s1+$0x80] =	vst v12  }
0x57: {  	v12 =	vld.idx.msk [tilespmem:v15+s10+$0x0], $0xffff;
	[tilespmem:s31+$0x180] =	vst v11;
	s31 =	smov.u32 s18  }
0x58: {  	v11 =	vld.idx.msk [tilespmem:v0+s11+$0x10 ss:$0x1], $0xffff;
	[tilespmem:s0+$0x80] =	vst v13  }
0x59: {  	v13 =	vld.idx.msk [tilespmem:v0+s11+$0x20 ss:$0x1], $0xffff;
	[tilespmem:s30+$0x80] =	vst v14;
	v14 =	vadd.s32 $0xC000, v1  }
0x5a: {  	v15 =	vld.idx.msk [tilespmem:v5+s10+$0x0], $0xffff;
	[tilespmem:s31+$0x80] =	vst v10  }
0x5b: {  	v1 =	vmov v8;
	v16 =	vld.idx.msk [tilespmem:v6+s10+$0x0], $0xffff  }
0x5c: {  	v17 =	vadd.s32 $0x4000, v9;
	v5 =	vadd.s32 $0x8000, v9;
	v18 =	vadd.s32 $0xC000, v9;
	v19 =	vld.idx.msk [tilespmem:v7+s10+$0x0], $0xffff  }
0x5d: {  	v20 =	vld.idx.msk [tilespmem:v8+s10+$0x0], $0xffff;
	[tilespmem:s1+$0x100] =	vst v12  }
0x5e: {  	v21 =	vadd.s32 $0x4000, v11;
	v6 =	vadd.s32 $0x8000, v11;
	v22 =	vadd.s32 $0xC000, v11;
	v14 =	vld.idx.msk [tilespmem:v14+s10+$0x0], $0xffff  }
0x5f: {  	s2 =	sadd.s32 $0x40, s2;
	v12 =	vadd.s32 $0x4000, v1;
	v10 =	vadd.s32 $0x4000, v13;
	v7 =	vadd.s32 $0x8000, v13;
	v23 =	vld.idx.msk [tilespmem:v9+s10+$0x0], $0xffff  }
0x60: {  	s12 =	sadd.s32 $0xFFFFFFD0, s2;
	s11 =	sand.u32 $0xE00, s7;
	v25 =	vadd.s32 $0xC000, v13;
	v24 =	vld.idx.msk [tilespmem:v11+s10+$0x0], $0xffff;
	[tilespmem:s0+$0x100] =	vst v15  }
0x61: {  	s19 =	sadd.s32 $0xFFFFFFE0, s2;
	s18 =	sand.u32 $0x70, s2;
	s11 =	sor.u32 $0x18000, s11;
	v26 =	vld.idx.msk [tilespmem:v13+s10+$0x0], $0xffff;
	[tilespmem:s30+$0x100] =	vst v16  }
0x62: {  	s20 =	sadd.s32 $0xFFFFFFF0, s2;
	s12 =	sand.u32 $0x40, s12;
	s13 =	sor.u32 s18, s11;
	v8 =	vld.idx.msk [tilespmem:v2+s10+$0x0], $0xffff;
	[tilespmem:s31+$0x100] =	vst v19;
	v2 =	vmov v18  }
.Ltmp0:
0x63: {  	s3 =	sand.u32 $0x60, s20;
	s18 =	sand.u32 $0x50, s19;
	[tilespmem:s13+$0x0] =	vst v20;
	v9 =	vld.idx.msk [tilespmem:v3+s10+$0x0], $0xffff;
	(pc) =	sbr.rel @p1 .LBB2_4-.Ltmp0, $4  }
0x64: {  	s19 =	sor.u32 s12, s11;
	s20 =	sor.u32 s18, s11;
	s18 =	sor.u32 s3, s11;
	v3 =	vmov v22;
	v12 =	vld.idx.msk [tilespmem:v12+s10+$0x0], $0xffff;
	[tilespmem:s1+$0x180] =	vst v14  }
0x65: {  	s1 =	smov.u32 s13;
	[tilespmem:s19+$0x0] =	vst v23;
	v11 =	vld.idx.msk [tilespmem:v4+s10+$0x0], $0xffff;
	v4 =	vmov v25  }
0x66: {  	v15 =	vadd.s32 $0x8000, v1;
	v13 =	vld.idx.msk [tilespmem:v17+s10+$0x0], $0xffff;
	[tilespmem:s20+$0x0] =	vst v24  }
0x67: {  	s7 =	sadd.s32 $0x100, s7;
	v14 =	vld.idx.msk [tilespmem:v21+s10+$0x0], $0xffff;
	[tilespmem:s18+$0x0] =	vst v26  }
0x68: {  	_ =	sdelay $0x3  }
0x69: {  	v0 =	vld.idx.msk [tilespmem:v10+s10+$0x0], $0xffff;
	_ =	sdelay $0x1  }
0x6a: {  	[tilespmem:s1+$0x80] =	vst v12  }
0x6b: {  	v10 =	vld.idx.msk [tilespmem:v15+s10+$0x0], $0xffff;
	[tilespmem:s19+$0x80] =	vst v13  }
0x6c: {  	v1 =	vadd.s32 $0xC000, v1;
	[tilespmem:s20+$0x80] =	vst v14;
	v5 =	vld.idx.msk [tilespmem:v5+s10+$0x0], $0xffff  }
0x6d: {  	[tilespmem:s18+$0x80] =	vst v0;
	v0 =	vld.idx.msk [tilespmem:v6+s10+$0x0], $0xffff  }
0x6e: {  	v6 =	vld.idx.msk [tilespmem:v7+s10+$0x0], $0xffff  }
0x6f: {  	[tilespmem:s0+$0x180] =	vst v8  }
0x70: {  	[tilespmem:s1+$0x100] =	vst v10  }
0x71: {  	v1 =	vld.idx.msk [tilespmem:v1+s10+$0x0], $0xffff;
	[tilespmem:s19+$0x100] =	vst v5  }
0x72: {  	[tilespmem:s20+$0x100] =	vst v0;
	v0 =	vld.idx.msk [tilespmem:v2+s10+$0x0], $0xffff  }
0x73: {  	[tilespmem:s18+$0x100] =	vst v6;
	v2 =	vld.idx.msk [tilespmem:v3+s10+$0x0], $0xffff  }
0x74: {  	[tilespmem:s30+$0x180] =	vst v9;
	v3 =	vld.idx.msk [tilespmem:v4+s10+$0x0], $0xffff  }
0x75: {  	[tilespmem:s31+$0x180] =	vst v11  }
0x76: {  	[tilespmem:s1+$0x180] =	vst v1;
	s1 =	sshll.u32 s28, $0xE  }
0x77: {  	s0 =	sadd.s32 s1, s6;
	[tilespmem:s19+$0x180] =	vst v0  }
0x78: {  	s0 =	sadd.s32 s23, s0;
	[tilespmem:s20+$0x180] =	vst v2  }
0x79: {  	s0 =	sadd.s32 s22, s0;
	[tilespmem:s18+$0x180] =	vst v3  }
0x7a: {  	v0 =	vmov s25;
	[hbm4b:s0+s15] =	stream.strided.scatter [tilespmem:s16], [sflag:$0x1], $0x1000, s9, s15, $0x38;
	[tilespmem:$0x1A000] =	vst v63  }
0x7b: {  	s0 =	simm.s32 @!p0 $0x2  }
0x7c: {  	_ =	swait.ge @!p0 [sflag:s0], $0x1000  }
0x7d: {  	[sflag:s0] =	ssyncset.done @!p0 $0x0  }
0x7e: {  	s2 =	simm.s32 $0x0;
	[sflag:s0] =	ssyncadd.s32 @!p0 $0xFFFFF000  }
0x7f: {  	v2 =	vld.idx.msk [tilespmem:v0+s2+$0x30 ss:$0x1], $0xffff  }
0x80: {  	v3 =	vld.idx.msk [tilespmem:v0+s2+$0x0 ss:$0x1], $0xffff;
	_ =	sdelay $0x2  }
0x81: {  	v4 =	vld.idx.msk [tilespmem:v0+s2+$0x10 ss:$0x1], $0xffff  }
0x82: {  	v5 =	vld.idx.msk [tilespmem:v0+s2+$0x20 ss:$0x1], $0xffff;
	_ =	sdelay $0x2  }
0x83: {  	v1 =	vld.idx.msk [tilespmem:v2+s10+$0x0], $0xffff  }
0x84: {  	s3 =	simm.s32 $0x0;
	v7 =	vadd.s32 $0x4000, v2;
	v6 =	vld.idx.msk [tilespmem:v3+s10+$0x0], $0xffff  }
0x85: {  	s4 =	simm.s32 $0x30;
	s0 =	sand.u32 $0xE00, s3;
	v8 =	vadd.s32 $0x4000, v3  }
0x86: {  	s7 =	sand.u32 $0x70, s4;
	s2 =	simm.s32 $0x0;
	s3 =	sor.u32 $0x19000, s0  }
0x87: {  	s4 =	sor.u32 s7, s3;
	s20 =	sand.u32 $0x40, s2;
	v9 =	vld.idx.msk [tilespmem:v4+s10+$0x0], $0xffff  }
0x88: {  	s11 =	sor.u32 s20, s3;
	v10 =	vadd.s32 $0x4000, v4;
	v11 =	vld.idx.msk [tilespmem:v5+s10+$0x0], $0xffff;
	[tilespmem:s4+$0x0] =	vst v1  }
0x89: {  	s5 =	simm.s32 $0x10;
	v12 =	vadd.s32 $0x4000, v5;
	[tilespmem:s11+$0x0] =	vst v6;
	v7 =	vld.idx.msk [tilespmem:v7+s10+$0x0], $0xffff  }
0x8a: {  	s8 =	simm.s32 $0x20;
	s4 =	sand.u32 $0x50, s5;
	s11 =	simm.s32 $0x40;
	v6 =	vld.idx.msk [tilespmem:v8+s10+$0x0], $0xffff  }
0x8b: {  	s19 =	sand.u32 $0x60, s8;
	s1 =	sor.u32 s4, s3;
	v1 =	vld.idx.msk [tilespmem:v0+s11+$0x30 ss:$0x1], $0xffff  }
0x8c: {  	s2 =	sor.u32 s19, s3;
	v8 =	vadd.s32 $0x8000, v2;
	v13 =	vld.idx.msk [tilespmem:v0+s11+$0x0 ss:$0x1], $0xffff;
	[tilespmem:s1+$0x0] =	vst v9  }
0x8d: {  	[tilespmem:s2+$0x0] =	vst v11;
	v11 =	vadd.s32 $0x8000, v3;
	v9 =	vld.idx.msk [tilespmem:v10+s10+$0x0], $0xffff  }
0x8e: {  	s12 =	sor.u32 $0x19080, s0;
	v10 =	vld.idx.msk [tilespmem:v12+s10+$0x0], $0xffff;
	v12 =	vadd.s32 $0x8000, v4  }
0x8f: {  	s13 =	sor.u32 s7, s12;
	v14 =	vld.idx.msk [tilespmem:v0+s11+$0x10 ss:$0x1], $0xffff  }
0x90: {  	s18 =	sor.u32 s20, s12;
	v15 =	vld.idx.msk [tilespmem:v0+s11+$0x20 ss:$0x1], $0xffff;
	[tilespmem:s13+$0x0] =	vst v7;
	v7 =	vadd.s32 $0x8000, v5  }
0x91: {  	s5 =	sor.u32 s4, s12;
	[tilespmem:s18+$0x0] =	vst v6;
	v8 =	vld.idx.msk [tilespmem:v8+s10+$0x0], $0xffff  }
0x92: {  	v6 =	vld.idx.msk [tilespmem:v11+s10+$0x0], $0xffff;
	[tilespmem:s5+$0x0] =	vst v9  }
0x93: {  	s8 =	sor.u32 s19, s12;
	v2 =	vadd.s32 $0xC000, v2;
	v9 =	vld.idx.msk [tilespmem:v12+s10+$0x0], $0xffff  }
0x94: {  	s11 =	sor.u32 $0x19100, s0;
	[tilespmem:s8+$0x0] =	vst v10;
	v10 =	vld.idx.msk [tilespmem:v1+s10+$0x0], $0xffff  }
0x95: {  	v3 =	vadd.s32 $0xC000, v3;
	s12 =	sor.u32 s7, s11;
	s13 =	simm.s32 $0x100;
	v7 =	vld.idx.msk [tilespmem:v7+s10+$0x0], $0xffff  }
0x96: {  	s2 =	simm.s32 $0x70;
	v4 =	vadd.s32 $0xC000, v4;
	s18 =	sor.u32 s20, s11;
	s31 =	sand.u32 $0xE00, s13;
	v11 =	vld.idx.msk [tilespmem:v13+s10+$0x0], $0xffff;
	[tilespmem:s12+$0x0] =	vst v8  }
0x97: {  	s1 =	sand.u32 $0x70, s2;
	s5 =	sor.u32 s4, s11;
	v12 =	vadd.s32 $0x4000, v1;
	v17 =	vld.idx.msk [tilespmem:v14+s10+$0x0], $0xffff;
	[tilespmem:s18+$0x0] =	vst v6;
	s12 =	sor.u32 $0x19000, s31  }
0x98: {  	v16 =	vadd.s32 $0xC000, v5;
	s18 =	simm.s32 $0x40;
	v2 =	vld.idx.msk [tilespmem:v2+s10+$0x0], $0xffff;
	s13 =	sor.u32 s1, s12;
	[tilespmem:s5+$0x0] =	vst v9  }
0x99: {  	v18 =	vadd.s32 $0x4000, v13;
	s8 =	sor.u32 s19, s11;
	v19 =	vld.idx.msk [tilespmem:v15+s10+$0x0], $0xffff;
	s30 =	sand.u32 $0x40, s18;
	[tilespmem:s13+$0x0] =	vst v10  }
0x9a: {  	v20 =	vadd.s32 $0x4000, v14;
	v9 =	vld.idx.msk [tilespmem:v3+s10+$0x0], $0xffff;
	[tilespmem:s8+$0x0] =	vst v7;
	s8 =	sor.u32 s30, s12  }
0x9b: {  	s3 =	simm.s32 $0x50;
	s5 =	sor.u32 $0x19180, s0;
	v8 =	vld.idx.msk [tilespmem:v4+s10+$0x0], $0xffff;
	[tilespmem:s8+$0x0] =	vst v11;
	v11 =	vadd.s32 $0x4000, v15  }
0x9c: {  	s18 =	simm.s32 $0x60;
	s13 =	sor.u32 s7, s5;
	s7 =	sand.u32 $0x50, s3;
	v12 =	vld.idx.msk [tilespmem:v12+s10+$0x0], $0xffff  }
0x9d: {  	v5 =	vadd.s32 $0x8000, v13;
	s0 =	sor.u32 $0x1, s29;
	s18 =	sand.u32 $0x60, s18;
	v3 =	vadd.s32 $0xC000, v15;
	v10 =	vld.idx.msk [tilespmem:v16+s10+$0x0], $0xffff;
	[tilespmem:s13+$0x0] =	vst v2;
	s13 =	sor.u32 s7, s12  }
0x9e: {  	s29 =	simm.s32 $0x4;
	s11 =	sor.u32 s4, s5;
	v7 =	vadd.s32 $0x8000, v15;
	s8 =	sor.u32 s18, s12;
	v15 =	vadd.s32 $0x8000, v1;
	v2 =	vadd.s32 $0xC000, v13;
	v13 =	vld.idx.msk [tilespmem:v18+s10+$0x0], $0xffff;
	[tilespmem:s13+$0x0] =	vst v17  }
0x9f: {  	v6 =	vadd.s32 $0x8000, v14;
	v4 =	vadd.s32 $0xC000, v14;
	s4 =	simm.s32 $0x200;
	s12 =	sor.u32 s20, s5;
	s20 =	sor.u32 s19, s5;
	[tilespmem:s8+$0x0] =	vst v19;
	v14 =	vld.idx.msk [tilespmem:v20+s10+$0x0], $0xffff  }
.LBB2_6:
0xa0: {  	s3 =	sshra.s32 s4, $0x2;
	s29 =	sadd.s32 $0x4, s29;
	s5 =	sor.u32 $0x19080, s31;
	v11 =	vld.idx.msk [tilespmem:v11+s10+$0x0], $0xffff;
	[tilespmem:s12+$0x0] =	vst v9  }
0xa1: {  	v9 =	vld.idx.msk [tilespmem:v0+s3+$0x30 ss:$0x1], $0xffff;
	p0 =	slt.u32 s29, $0x3C;
	s12 =	sor.u32 s30, s5;
	s13 =	sor.u32 s1, s5;
	[tilespmem:s11+$0x0] =	vst v8  }
0xa2: {  	s19 =	smov.u32 s7;
	s11 =	sor.u32 s7, s5;
	s5 =	sor.u32 s18, s5;
	v8 =	vld.idx.msk [tilespmem:v0+s3+$0x0 ss:$0x1], $0xffff;
	[tilespmem:s13+$0x0] =	vst v12  }
0xa3: {  	v12 =	vld.idx.msk [tilespmem:v15+s10+$0x0], $0xffff;
	[tilespmem:s20+$0x0] =	vst v10;
	s20 =	smov.u32 s18  }
0xa4: {  	v10 =	vld.idx.msk [tilespmem:v0+s3+$0x10 ss:$0x1], $0xffff;
	[tilespmem:s12+$0x0] =	vst v13  }
0xa5: {  	v13 =	vld.idx.msk [tilespmem:v0+s3+$0x20 ss:$0x1], $0xffff;
	[tilespmem:s11+$0x0] =	vst v14;
	v14 =	vadd.s32 $0xC000, v1  }
0xa6: {  	v15 =	vld.idx.msk [tilespmem:v5+s10+$0x0], $0xffff;
	[tilespmem:s5+$0x0] =	vst v11  }
0xa7: {  	s3 =	sor.u32 $0x19100, s31;
	v1 =	vmov v9;
	v16 =	vld.idx.msk [tilespmem:v6+s10+$0x0], $0xffff  }
0xa8: {  	s5 =	sor.u32 s30, s3;
	s7 =	sor.u32 s19, s3;
	s11 =	sor.u32 s1, s3;
	v17 =	vadd.s32 $0x4000, v8;
	v5 =	vadd.s32 $0x8000, v8;
	v18 =	vadd.s32 $0xC000, v8;
	v19 =	vld.idx.msk [tilespmem:v7+s10+$0x0], $0xffff  }
0xa9: {  	s3 =	sor.u32 s20, s3;
	v20 =	vld.idx.msk [tilespmem:v9+s10+$0x0], $0xffff;
	[tilespmem:s11+$0x0] =	vst v12  }
0xaa: {  	v21 =	vadd.s32 $0x4000, v10;
	v6 =	vadd.s32 $0x8000, v10;
	v22 =	vadd.s32 $0xC000, v10;
	v14 =	vld.idx.msk [tilespmem:v14+s10+$0x0], $0xffff  }
0xab: {  	s2 =	sadd.s32 $0x40, s2;
	v12 =	vadd.s32 $0x4000, v1;
	v11 =	vadd.s32 $0x4000, v13;
	v7 =	vadd.s32 $0x8000, v13;
	v23 =	vld.idx.msk [tilespmem:v8+s10+$0x0], $0xffff  }
0xac: {  	s8 =	sand.u32 $0x70, s2;
	s13 =	sand.u32 $0xE00, s4;
	v25 =	vadd.s32 $0xC000, v13;
	v24 =	vld.idx.msk [tilespmem:v10+s10+$0x0], $0xffff;
	[tilespmem:s5+$0x0] =	vst v15  }
0xad: {  	s31 =	sor.u32 $0x19180, s31;
	s11 =	sor.u32 $0x19000, s13;
	s5 =	sadd.s32 $0xFFFFFFD0, s2;
	v26 =	vld.idx.msk [tilespmem:v13+s10+$0x0], $0xffff;
	[tilespmem:s7+$0x0] =	vst v16  }
0xae: {  	s1 =	sor.u32 s1, s31;
	s12 =	sor.u32 s8, s11;
	s7 =	sadd.s32 $0xFFFFFFE0, s2;
	v9 =	vld.idx.msk [tilespmem:v2+s10+$0x0], $0xffff;
	[tilespmem:s3+$0x0] =	vst v19;
	v2 =	vmov v18  }
.Ltmp1:
0xaf: {  	s3 =	sand.u32 $0x40, s5;
	s5 =	sadd.s32 $0xFFFFFFF0, s2;
	[tilespmem:s12+$0x0] =	vst v20;
	v8 =	vld.idx.msk [tilespmem:v4+s10+$0x0], $0xffff;
	(pc) =	sbr.rel @p0 .LBB2_6-.Ltmp1, $4  }
0xb0: {  	s7 =	sand.u32 $0x50, s7;
	s12 =	sor.u32 s3, s11;
	s18 =	sand.u32 $0x60, s5;
	v4 =	vmov v22;
	v12 =	vld.idx.msk [tilespmem:v12+s10+$0x0], $0xffff;
	[tilespmem:s1+$0x0] =	vst v14  }
0xb1: {  	s1 =	sor.u32 s7, s11;
	s5 =	sor.u32 s18, s11;
	[tilespmem:s12+$0x0] =	vst v23;
	s12 =	sor.u32 s30, s31;
	v10 =	vld.idx.msk [tilespmem:v3+s10+$0x0], $0xffff;
	v3 =	vmov v25  }
0xb2: {  	s20 =	sor.u32 s20, s31;
	v15 =	vadd.s32 $0x8000, v1;
	s11 =	sor.u32 s19, s31;
	s31 =	smov.u32 s13;
	v13 =	vld.idx.msk [tilespmem:v17+s10+$0x0], $0xffff;
	[tilespmem:s1+$0x0] =	vst v24  }
0xb3: {  	s4 =	sadd.s32 $0x100, s4;
	s30 =	smov.u32 s3;
	s1 =	smov.u32 s8;
	v14 =	vld.idx.msk [tilespmem:v21+s10+$0x0], $0xffff;
	[tilespmem:s5+$0x0] =	vst v26  }
0xb4: {  	_ =	sdelay $0x3  }
0xb5: {  	s2 =	sor.u32 $0x19080, s31;
	v0 =	vld.idx.msk [tilespmem:v11+s10+$0x0], $0xffff  }
0xb6: {  	s3 =	sor.u32 s1, s2  }
0xb7: {  	s4 =	sor.u32 s30, s2;
	[tilespmem:s3+$0x0] =	vst v12  }
0xb8: {  	s5 =	sor.u32 s7, s2;
	[tilespmem:s4+$0x0] =	vst v13;
	v59 =	vld.idx.msk [tilespmem:v15+s10+$0x0], $0xffff  }
0xb9: {  	v1 =	vadd.s32 $0xC000, v1;
	s2 =	sor.u32 s18, s2;
	[tilespmem:s5+$0x0] =	vst v14;
	v5 =	vld.idx.msk [tilespmem:v5+s10+$0x0], $0xffff  }
0xba: {  	[tilespmem:s2+$0x0] =	vst v0;
	v60 =	vld.idx.msk [tilespmem:v6+s10+$0x0], $0xffff  }
0xbb: {  	s8 =	sor.u32 $0x19100, s31;
	v61 =	vld.idx.msk [tilespmem:v7+s10+$0x0], $0xffff  }
0xbc: {  	[tilespmem:s12+$0x0] =	vst v9;
	s12 =	sor.u32 s1, s8  }
0xbd: {  	s4 =	sor.u32 s30, s8;
	[tilespmem:s12+$0x0] =	vst v59  }
0xbe: {  	s13 =	sor.u32 s7, s8;
	v1 =	vld.idx.msk [tilespmem:v1+s10+$0x0], $0xffff;
	[tilespmem:s4+$0x0] =	vst v5  }
0xbf: {  	s2 =	sor.u32 s18, s8;
	[tilespmem:s13+$0x0] =	vst v60;
	v62 =	vld.idx.msk [tilespmem:v2+s10+$0x0], $0xffff  }
0xc0: {  	[tilespmem:s2+$0x0] =	vst v61;
	v63 =	vld.idx.msk [tilespmem:v4+s10+$0x0], $0xffff  }
0xc1: {  	[tilespmem:s11+$0x0] =	vst v8;
	s19 =	sor.u32 $0x19180, s31;
	s28 =	sadd.s32 $0x1, s28;
	v3 =	vld.idx.msk [tilespmem:v3+s10+$0x0], $0xffff  }
0xc2: {  	p0 =	sne.s32 s28, $0x10;
	[tilespmem:s20+$0x0] =	vst v10;
	s20 =	sor.u32 s1, s19  }
.Ltmp2:
0xc3: {  	s0 =	sshll.u32 s0, $0xD;
	s29 =	sor.u32 s30, s19;
	[tilespmem:s20+$0x0] =	vst v1;
	(pc) =	sbr.rel @p0 .LBB2_3-.Ltmp2, $4  }
0xc4: {  	s0 =	sadd.s32 s0, s6;
	s30 =	sor.u32 s7, s19;
	[tilespmem:s29+$0x0] =	vst v62  }
0xc5: {  	s31 =	sor.u32 s18, s19;
	s0 =	sadd.s32 s23, s0;
	[tilespmem:s30+$0x0] =	vst v63  }
0xc6: {  	s26 =	sadd.s32 $0x800, s26;
	s25 =	sadd.s32 $0x800, s25;
	s0 =	sadd.s32 s22, s0;
	[tilespmem:s31+$0x0] =	vst v3  }
0xc7: {  	[hbm4b:s0+s15] =	stream.strided.scatter [tilespmem:s17], [sflag:$0x2], $0x1000, s9, s15, $0x38;
	[tilespmem:$0x1A000] =	vst v63  }
0xc8: {  	s21 =	sadd.s32 $0x1, s21  }
0xc9: {  	p0 =	sne.s32 s21, $0x4  }
.Ltmp3:
0xca: {  	_ = 	snop;
	(pc) =	sbr.rel @p0 .LBB2_2-.Ltmp3, $1  }
0xcb: {  	_ =	sdelay $0x3  }
0xcc: {  	s0 =	simm.s32 $0x1  }
0xcd: {  	_ =	swait.ge [sflag:s0], $0x1000  }
0xce: {  	[sflag:s0] =	ssyncset.done $0x0  }
0xcf: {  	s1 =	simm.s32 $0x2;
	[sflag:s0] =	ssyncadd.s32 $0xFFFFF000  }
0xd0: {  	_ =	swait.ge [sflag:s1], $0x1000  }
0xd1: {  	s2 =	rddreg [dreg:$0x8]  }
0xd2: {  	s31 =	rddreg [dreg:$0x7];
	s2 =	sadd.s32 $0x1, s2  }
0xd3: {  	p0 =	sne.s32 s2, s31  }
.Ltmp4:
0xd4: {  	_ = 	snop;
	(pc) =	sbr.rel @p0 .LBB2_1-.Ltmp4, $3  }
0xd5: {  	_ =	sdelay $0x1  }
0xd6: {  	[sflag:s1] =	ssyncset.done $0x0  }
0xd7: {  	[sflag:s1] =	ssyncadd.s32 $0xFFFFF000  }
0xd8: {  	_ =	sfence.sel $0x180000  }
0xd9: {  	[bflag:$0x0] =	sbarrier.arrive $0xFFFF  }
0xda: {  	_ =	strace $0x90000047  }
0xdb: {  	s0 =	stileid.u32;
	[bflag:$0x2] =	sbarrier.arrive $0xFFFF  }
0xdc: {  	p0 =	sne.s32 s0, $0x0;
	s0 =	rddreg [dreg:$0x3]  }
0xdd: {  	s0 =	sadd.s32 @!p0 $0x100000, s0  }
0xde: {  	[sflag:s0] =	ssyncadd.tile.s32 @!p0 $0x1;
	_ =	shalt  }
.Lfunc_end2:
_tile_overlayer_lowered:
.L_overlay_start_2:
0xdf: {  	(tag) =	ssettag $0x2  }
0xe0: {  	s0 =	rddreg [dreg:$0x0];
	s2 =	stileid.u32  }
0xe1: {  	s1 =	rddreg [dreg:$0x1];
	p0 =	sne.s32 s2, $0x0  }
0xe2: {  	s3 =	rddreg [dreg:$0x2];
	[bflag:$0x3] =	sbarrier.arrive $0xFFFF;
	s2 =	simm.s32 @!p0 $0x1C04  }
0xe3: {  	[timem:s3], [sflag:s2] =	dma.local @!p0 [hbm:s0], s1  }
0xe4: {  	s0 =	simm.s32 @!p0 $0x4  }
0xe5: {  	_ =	swait.ge @!p0 [sflag:s0], s1  }
0xe6: {  	s1 =	ssub.s32 @!p0 $0x0, s1;
	[sflag:s0] =	ssyncset.done @!p0 $0x0  }
0xe7: {  	[sflag:s0] =	ssyncadd.s32 @!p0 s1  }
0xe8: {  	[bflag:$0x3] =	sbarrier.arrive $0xFFFF  }
0xe9: {  	_ =	shalt  }

</sc_bundles>
